<compile_context>
chip_gen: v7x
topology: tpu7x:2x2x1
jax: 0.10.2.dev20260603
libtpu: 0.0.44.dev20260713+nightly
codegen_flags: <defaults>
</compile_context>

<pallas_src>
import functools
import math

import jax
import jax.numpy as jnp
from jax import lax
from jax.experimental import pallas as pl
from jax.experimental.pallas import tpu as pltpu
from jax.experimental.pallas import tpu_sc as plsc

D = 64
L = 16
NC, NS = 2, 16
NW = NC * NS
CHUNK = 128
NBUF = 4
SCALE = math.sqrt(D)


def _body(idx_hbm, table_hbm, out_hbm, idx_v, rows_v, gsem):
    n_chunks = idx_hbm.shape[0]
    g_per_w = n_chunks // NW
    wid = lax.axis_index("s") * NC + lax.axis_index("c")
    base_g = wid * g_per_w

    pltpu.sync_copy(idx_hbm.at[pl.ds(base_g, g_per_w)], idx_v)

    def start(j, b):
        pltpu.async_copy(table_hbm.at[idx_v.at[j]], rows_v.at[b], gsem.at[b])

    for b in range(NBUF):
        start(b, b)

    def scale_buf(buf):
        def row(r, _):
            for c in range(D // L):
                sl = (r, pl.ds(c * L, L))
                buf[sl] = buf[sl] * SCALE
            return 0
        lax.fori_loop(0, CHUNK, row, 0)

    n_grp = g_per_w // NBUF

    def grp_body(g, _):
        for b in range(NBUF):
            j = g * NBUF + b
            pltpu.make_async_copy(
                table_hbm.at[idx_v.at[j]], rows_v.at[b], gsem.at[b]
            ).wait()
            scale_buf(rows_v.at[b])
            pltpu.sync_copy(
                rows_v.at[b], out_hbm.at[pl.ds((base_g + j) * CHUNK, CHUNK)]
            )
            nxt = j + NBUF

            @pl.when(nxt < g_per_w)
            def _():
                start(nxt, b)
        return 0

    lax.fori_loop(0, n_grp, grp_body, 0)


@functools.lru_cache(maxsize=None)
def _build(n_chunks):
    mesh = plsc.VectorSubcoreMesh(core_axis_name="c", subcore_axis_name="s")
    g_per_w = n_chunks // NW
    return pl.kernel(
        _body,
        out_type=jax.ShapeDtypeStruct((n_chunks * CHUNK, D), jnp.float32),
        mesh=mesh,
        scratch_types=[
            pltpu.VMEM((g_per_w, CHUNK), jnp.int32),
            pltpu.VMEM((NBUF, CHUNK, D), jnp.float32),
            pltpu.SemaphoreType.DMA((NBUF,)),
        ],
        compiler_params=pltpu.CompilerParams(use_tc_tiling_on_sc=False),
    )


def kernel(x, table):
    orig_shape = x.shape
    flat = x.reshape(-1).astype(jnp.int32)
    b = flat.shape[0]
    assert b % (NW * CHUNK * NBUF) == 0, b
    idx2d = flat.reshape(b // CHUNK, CHUNK)
    out = _build(b // CHUNK)(idx2d, table)
    return out.reshape(*orig_shape, D)

# --- scband reference (transcript-rebuilt; emitter-appended) ---
"""Pipeline reference for scband-input-embeddings-43396349559390 (READ-ONLY COPY).

The authoritative reference and input builder live on the scoring server;
editing this copy changes nothing except your own understanding.
"""

import jax, jax.numpy as jnp
import numpy as np
import math

VOCAB_SIZE = 1000000
D_MODEL = 64

def setup_inputs(seed: int = 0) -> dict:
    key = jax.random.key(seed)
    k1, k2 = jax.random.split(key)
    x = jax.random.randint(k1, (16384, 20), 0, VOCAB_SIZE, dtype=jnp.int64 if jax.config.read('jax_enable_x64') else jnp.int32)
    # Embedding table (Keras Embedding default: uniform init)
    table = jax.random.uniform(k2, (VOCAB_SIZE, D_MODEL), dtype=jnp.float32, minval=-0.05, maxval=0.05)
    return {"x": x, "table": table}

def reference(x, table):
    # InputEmbeddings.forward: embedding(x) * sqrt(d_model)
    emb = jnp.take(table, x, axis=0)
    return emb * math.sqrt(D_MODEL)

if __name__ == "__main__":
    import jax
    _d = setup_inputs()
    print(jax.jit(kernel)(*tuple(_d.values())))

</pallas_src>

<mosaic_0001>
#map = affine_map<(d0, d1) -> (0, 0)>
module attributes {stable_mosaic.version = 14 : i64} {
  func.func @_body(%arg0: i32, %arg1: i32, %arg2: memref<2560x128xi32, #tpu.memory_space<hbm>>, %arg3: memref<1000000x64xf32, #tpu.memory_space<hbm>>, %arg4: memref<327680x64xf32, #tpu.memory_space<hbm>>, %arg5: memref<80x128xi32, #tpu.memory_space<vmem>>, %arg6: memref<4x128x64xf32, #tpu.memory_space<vmem>>, %arg7: memref<4x!tpu.dma_semaphore, #tpu.memory_space<semaphore_mem>>) attributes {dimension_semantics = [#tpu.dimension_semantics<core_parallel>, #tpu.dimension_semantics<subcore_parallel>], iteration_bounds = array<i64: 2, 16>, scalar_prefetch = 0 : i64, scratch_operands = 3 : i64, tpu.core_type = #tpu.core_type<sc_vector_subcore>, window_params = [{transform_indices = #map}, {transform_indices = #map}, {transform_indices = #map}]} {
    %mul3A = arith.constant 2 : i32
    %mul3A_0 = arith.muli %arg1, %mul3A : i32
    %add3A = arith.addi %mul3A_0, %arg0 : i32
    %mul3A_1 = arith.constant 80 : i32
    %mul3A_2 = arith.muli %add3A, %mul3A_1 : i32
    "tpu.region"() ({
      %run_scoped3A = tpu.sem_alloc : memref<!tpu.dma_semaphore, #tpu.memory_space<semaphore_mem>>
      %dma_start3A_68 = arith.constant 0 : i32
      %dma_start3A_69 = tpu.memref_slice %arg2[%mul3A_2, %dma_start3A_68] : memref<2560x128xi32, #tpu.memory_space<hbm>> -> memref<80x128xi32, #tpu.memory_space<hbm>>
      %dma_start3A_70 = arith.constant 0 : i32
      %dma_start3A_71 = tpu.memref_slice %arg2[%mul3A_2, %dma_start3A_70] : memref<2560x128xi32, #tpu.memory_space<hbm>> -> memref<80x128xi32, #tpu.memory_space<hbm>>
      tpu.enqueue_dma source(%dma_start3A_71 : memref<80x128xi32, #tpu.memory_space<hbm>>) target(%arg5 : memref<80x128xi32, #tpu.memory_space<vmem>>) target_semaphore(%run_scoped3A : memref<!tpu.dma_semaphore, #tpu.memory_space<semaphore_mem>>)
      %dma_wait3A = arith.constant 0 : i32
      %dma_wait3A_72 = tpu.memref_slice %arg2[%mul3A_2, %dma_wait3A] : memref<2560x128xi32, #tpu.memory_space<hbm>> -> memref<80x128xi32, #tpu.memory_space<hbm>>
      %dma_wait3A_73 = arith.constant 0 : i32
      %dma_wait3A_74 = tpu.memref_slice %arg2[%mul3A_2, %dma_wait3A_73] : memref<2560x128xi32, #tpu.memory_space<hbm>> -> memref<80x128xi32, #tpu.memory_space<hbm>>
      tpu.wait_dma2 semaphore(%run_scoped3A : memref<!tpu.dma_semaphore, #tpu.memory_space<semaphore_mem>>) src(%dma_wait3A_74 : memref<80x128xi32, #tpu.memory_space<hbm>>) dst(%arg5 : memref<80x128xi32, #tpu.memory_space<vmem>>)
      tpu.yield
    }) : () -> ()
    %dma_start3A = arith.constant 0 : i32
    %dma_start3A_3 = arith.constant 0 : i32
    %dma_start3A_4 = arith.constant 0 : i32
    %dma_start3A_5 = arith.constant 0 : i32
    %dma_start3A_6 = arith.constant 0 : i32
    %dma_start3A_7 = tpu.memref_slice %arg6[%dma_start3A_3, %dma_start3A_5, %dma_start3A_6] : memref<4x128x64xf32, #tpu.memory_space<vmem>> -> memref<1x128x64xf32, #tpu.memory_space<vmem>>
    %dma_start3A_8 = tpu.memref_squeeze %dma_start3A_7 : memref<1x128x64xf32, #tpu.memory_space<vmem>> -> memref<128x64xf32, #tpu.memory_space<vmem>>
    %dma_start3A_9 = arith.constant 0 : i32
    %dma_start3A_10 = tpu.memref_slice %arg5[%dma_start3A, %dma_start3A_9] : memref<80x128xi32, #tpu.memory_space<vmem>> -> memref<1x128xi32, #tpu.memory_space<vmem>>
    %dma_start3A_11 = tpu.memref_squeeze %dma_start3A_10 : memref<1x128xi32, #tpu.memory_space<vmem>> -> memref<128xi32, #tpu.memory_space<vmem>>
    %dma_start3A_12 = arith.constant 0 : i32
    %dma_start3A_13 = arith.constant 0 : i32
    %dma_start3A_14 = tpu.memref_slice %arg3[%dma_start3A_12, %dma_start3A_13] : memref<1000000x64xf32, #tpu.memory_space<hbm>> -> memref<1000000x64xf32, #tpu.memory_space<hbm>>
    %dma_start3A_15 = tpu.memref_slice %arg7[%dma_start3A_4] : memref<4x!tpu.dma_semaphore, #tpu.memory_space<semaphore_mem>> -> memref<1x!tpu.dma_semaphore, #tpu.memory_space<semaphore_mem>>
    %dma_start3A_16 = tpu.memref_squeeze %dma_start3A_15 : memref<1x!tpu.dma_semaphore, #tpu.memory_space<semaphore_mem>> -> memref<!tpu.dma_semaphore, #tpu.memory_space<semaphore_mem>>
    tpu.enqueue_indirect_dma source(%dma_start3A_14 : memref<1000000x64xf32, #tpu.memory_space<hbm>>) target(%dma_start3A_8 : memref<128x64xf32, #tpu.memory_space<vmem>>) offsets(%dma_start3A_11 : memref<128xi32, #tpu.memory_space<vmem>>) semaphore(%dma_start3A_16 : memref<!tpu.dma_semaphore, #tpu.memory_space<semaphore_mem>>)
    %dma_start3A_17 = arith.constant 1 : i32
    %dma_start3A_18 = arith.constant 1 : i32
    %dma_start3A_19 = arith.constant 1 : i32
    %dma_start3A_20 = arith.constant 0 : i32
    %dma_start3A_21 = arith.constant 0 : i32
    %dma_start3A_22 = tpu.memref_slice %arg6[%dma_start3A_18, %dma_start3A_20, %dma_start3A_21] : memref<4x128x64xf32, #tpu.memory_space<vmem>> -> memref<1x128x64xf32, #tpu.memory_space<vmem>>
    %dma_start3A_23 = tpu.memref_squeeze %dma_start3A_22 : memref<1x128x64xf32, #tpu.memory_space<vmem>> -> memref<128x64xf32, #tpu.memory_space<vmem>>
    %dma_start3A_24 = arith.constant 0 : i32
    %dma_start3A_25 = tpu.memref_slice %arg5[%dma_start3A_17, %dma_start3A_24] : memref<80x128xi32, #tpu.memory_space<vmem>> -> memref<1x128xi32, #tpu.memory_space<vmem>>
    %dma_start3A_26 = tpu.memref_squeeze %dma_start3A_25 : memref<1x128xi32, #tpu.memory_space<vmem>> -> memref<128xi32, #tpu.memory_space<vmem>>
    %dma_start3A_27 = arith.constant 0 : i32
    %dma_start3A_28 = arith.constant 0 : i32
    %dma_start3A_29 = tpu.memref_slice %arg3[%dma_start3A_27, %dma_start3A_28] : memref<1000000x64xf32, #tpu.memory_space<hbm>> -> memref<1000000x64xf32, #tpu.memory_space<hbm>>
    %dma_start3A_30 = tpu.memref_slice %arg7[%dma_start3A_19] : memref<4x!tpu.dma_semaphore, #tpu.memory_space<semaphore_mem>> -> memref<1x!tpu.dma_semaphore, #tpu.memory_space<semaphore_mem>>
    %dma_start3A_31 = tpu.memref_squeeze %dma_start3A_30 : memref<1x!tpu.dma_semaphore, #tpu.memory_space<semaphore_mem>> -> memref<!tpu.dma_semaphore, #tpu.memory_space<semaphore_mem>>
    tpu.enqueue_indirect_dma source(%dma_start3A_29 : memref<1000000x64xf32, #tpu.memory_space<hbm>>) target(%dma_start3A_23 : memref<128x64xf32, #tpu.memory_space<vmem>>) offsets(%dma_start3A_26 : memref<128xi32, #tpu.memory_space<vmem>>) semaphore(%dma_start3A_31 : memref<!tpu.dma_semaphore, #tpu.memory_space<semaphore_mem>>)
    %dma_start3A_32 = arith.constant 2 : i32
    %dma_start3A_33 = arith.constant 2 : i32
    %dma_start3A_34 = arith.constant 2 : i32
    %dma_start3A_35 = arith.constant 0 : i32
    %dma_start3A_36 = arith.constant 0 : i32
    %dma_start3A_37 = tpu.memref_slice %arg6[%dma_start3A_33, %dma_start3A_35, %dma_start3A_36] : memref<4x128x64xf32, #tpu.memory_space<vmem>> -> memref<1x128x64xf32, #tpu.memory_space<vmem>>
    %dma_start3A_38 = tpu.memref_squeeze %dma_start3A_37 : memref<1x128x64xf32, #tpu.memory_space<vmem>> -> memref<128x64xf32, #tpu.memory_space<vmem>>
    %dma_start3A_39 = arith.constant 0 : i32
    %dma_start3A_40 = tpu.memref_slice %arg5[%dma_start3A_32, %dma_start3A_39] : memref<80x128xi32, #tpu.memory_space<vmem>> -> memref<1x128xi32, #tpu.memory_space<vmem>>
    %dma_start3A_41 = tpu.memref_squeeze %dma_start3A_40 : memref<1x128xi32, #tpu.memory_space<vmem>> -> memref<128xi32, #tpu.memory_space<vmem>>
    %dma_start3A_42 = arith.constant 0 : i32
    %dma_start3A_43 = arith.constant 0 : i32
    %dma_start3A_44 = tpu.memref_slice %arg3[%dma_start3A_42, %dma_start3A_43] : memref<1000000x64xf32, #tpu.memory_space<hbm>> -> memref<1000000x64xf32, #tpu.memory_space<hbm>>
    %dma_start3A_45 = tpu.memref_slice %arg7[%dma_start3A_34] : memref<4x!tpu.dma_semaphore, #tpu.memory_space<semaphore_mem>> -> memref<1x!tpu.dma_semaphore, #tpu.memory_space<semaphore_mem>>
    %dma_start3A_46 = tpu.memref_squeeze %dma_start3A_45 : memref<1x!tpu.dma_semaphore, #tpu.memory_space<semaphore_mem>> -> memref<!tpu.dma_semaphore, #tpu.memory_space<semaphore_mem>>
    tpu.enqueue_indirect_dma source(%dma_start3A_44 : memref<1000000x64xf32, #tpu.memory_space<hbm>>) target(%dma_start3A_38 : memref<128x64xf32, #tpu.memory_space<vmem>>) offsets(%dma_start3A_41 : memref<128xi32, #tpu.memory_space<vmem>>) semaphore(%dma_start3A_46 : memref<!tpu.dma_semaphore, #tpu.memory_space<semaphore_mem>>)
    %dma_start3A_47 = arith.constant 3 : i32
    %dma_start3A_48 = arith.constant 3 : i32
    %dma_start3A_49 = arith.constant 3 : i32
    %dma_start3A_50 = arith.constant 0 : i32
    %dma_start3A_51 = arith.constant 0 : i32
    %dma_start3A_52 = tpu.memref_slice %arg6[%dma_start3A_48, %dma_start3A_50, %dma_start3A_51] : memref<4x128x64xf32, #tpu.memory_space<vmem>> -> memref<1x128x64xf32, #tpu.memory_space<vmem>>
    %dma_start3A_53 = tpu.memref_squeeze %dma_start3A_52 : memref<1x128x64xf32, #tpu.memory_space<vmem>> -> memref<128x64xf32, #tpu.memory_space<vmem>>
    %dma_start3A_54 = arith.constant 0 : i32
    %dma_start3A_55 = tpu.memref_slice %arg5[%dma_start3A_47, %dma_start3A_54] : memref<80x128xi32, #tpu.memory_space<vmem>> -> memref<1x128xi32, #tpu.memory_space<vmem>>
    %dma_start3A_56 = tpu.memref_squeeze %dma_start3A_55 : memref<1x128xi32, #tpu.memory_space<vmem>> -> memref<128xi32, #tpu.memory_space<vmem>>
    %dma_start3A_57 = arith.constant 0 : i32
    %dma_start3A_58 = arith.constant 0 : i32
    %dma_start3A_59 = tpu.memref_slice %arg3[%dma_start3A_57, %dma_start3A_58] : memref<1000000x64xf32, #tpu.memory_space<hbm>> -> memref<1000000x64xf32, #tpu.memory_space<hbm>>
    %dma_start3A_60 = tpu.memref_slice %arg7[%dma_start3A_49] : memref<4x!tpu.dma_semaphore, #tpu.memory_space<semaphore_mem>> -> memref<1x!tpu.dma_semaphore, #tpu.memory_space<semaphore_mem>>
    %dma_start3A_61 = tpu.memref_squeeze %dma_start3A_60 : memref<1x!tpu.dma_semaphore, #tpu.memory_space<semaphore_mem>> -> memref<!tpu.dma_semaphore, #tpu.memory_space<semaphore_mem>>
    tpu.enqueue_indirect_dma source(%dma_start3A_59 : memref<1000000x64xf32, #tpu.memory_space<hbm>>) target(%dma_start3A_53 : memref<128x64xf32, #tpu.memory_space<vmem>>) offsets(%dma_start3A_56 : memref<128xi32, #tpu.memory_space<vmem>>) semaphore(%dma_start3A_61 : memref<!tpu.dma_semaphore, #tpu.memory_space<semaphore_mem>>)
    %scan3A = arith.constant 0 : i32
    %scan3A_62 = arith.constant 0 : i32
    %scan3A_63 = arith.constant 20 : i32
    %scan3A_64 = arith.addi %scan3A_62, %scan3A_63 : i32
    %scan3A_65 = arith.constant 1 : i32
    %scan3A_66 = scf.for %scan3A_68 = %scan3A_62 to %scan3A_64 step %scan3A_65 iter_args(%scan3A_69 = %scan3A) -> (i32)  : i32 {
      %mul3A_70 = arith.constant 4 : i32
      %mul3A_71 = arith.muli %scan3A_68, %mul3A_70 : i32
      %add3A_72 = arith.constant 0 : i32
      %add3A_73 = arith.addi %mul3A_71, %add3A_72 : i32
      %dma_wait3A = arith.constant 0 : i32
      %dma_wait3A_74 = arith.constant 0 : i32
      %dma_wait3A_75 = arith.constant 0 : i32
      %dma_wait3A_76 = arith.constant 0 : i32
      %dma_wait3A_77 = tpu.memref_slice %arg6[%dma_wait3A, %dma_wait3A_75, %dma_wait3A_76] : memref<4x128x64xf32, #tpu.memory_space<vmem>> -> memref<1x128x64xf32, #tpu.memory_space<vmem>>
      %dma_wait3A_78 = tpu.memref_squeeze %dma_wait3A_77 : memref<1x128x64xf32, #tpu.memory_space<vmem>> -> memref<128x64xf32, #tpu.memory_space<vmem>>
      %dma_wait3A_79 = arith.constant 0 : i32
      %dma_wait3A_80 = tpu.memref_slice %arg5[%add3A_73, %dma_wait3A_79] : memref<80x128xi32, #tpu.memory_space<vmem>> -> memref<1x128xi32, #tpu.memory_space<vmem>>
      %dma_wait3A_81 = tpu.memref_squeeze %dma_wait3A_80 : memref<1x128xi32, #tpu.memory_space<vmem>> -> memref<128xi32, #tpu.memory_space<vmem>>
      %dma_wait3A_82 = arith.constant 0 : i32
      %dma_wait3A_83 = arith.constant 0 : i32
      %dma_wait3A_84 = tpu.memref_slice %arg3[%dma_wait3A_82, %dma_wait3A_83] : memref<1000000x64xf32, #tpu.memory_space<hbm>> -> memref<1000000x64xf32, #tpu.memory_space<hbm>>
      %dma_wait3A_85 = tpu.memref_slice %arg7[%dma_wait3A_74] : memref<4x!tpu.dma_semaphore, #tpu.memory_space<semaphore_mem>> -> memref<1x!tpu.dma_semaphore, #tpu.memory_space<semaphore_mem>>
      %dma_wait3A_86 = tpu.memref_squeeze %dma_wait3A_85 : memref<1x!tpu.dma_semaphore, #tpu.memory_space<semaphore_mem>> -> memref<!tpu.dma_semaphore, #tpu.memory_space<semaphore_mem>>
      tpu.wait_indirect_dma semaphore(%dma_wait3A_86 : memref<!tpu.dma_semaphore, #tpu.memory_space<semaphore_mem>>) src(%dma_wait3A_84 : memref<1000000x64xf32, #tpu.memory_space<hbm>>) dst(%dma_wait3A_78 : memref<128x64xf32, #tpu.memory_space<vmem>>)
      %scan3A_87 = arith.constant 0 : i32
      %scan3A_88 = arith.constant 0 : i32
      %scan3A_89 = arith.constant 0 : i32
      %scan3A_90 = arith.constant 128 : i32
      %scan3A_91 = arith.addi %scan3A_89, %scan3A_90 : i32
      %scan3A_92 = arith.constant 1 : i32
      %scan3A_93 = scf.for %scan3A_214 = %scan3A_89 to %scan3A_91 step %scan3A_92 iter_args(%scan3A_215 = %scan3A_88) -> (i32)  : i32 {
        %get3A = arith.constant 0 : i32
        %get3A_216 = arith.constant 0 : i32
        %get3A_217 = tpu.memref_slice %arg6[%scan3A_87, %get3A, %get3A_216] : memref<4x128x64xf32, #tpu.memory_space<vmem>> -> memref<1x128x64xf32, #tpu.memory_space<vmem>>
        %get3A_218 = tpu.memref_squeeze %get3A_217 : memref<1x128x64xf32, #tpu.memory_space<vmem>> -> memref<128x64xf32, #tpu.memory_space<vmem>>
        %get3A_219 = arith.index_cast %scan3A_214 : i32 to index
        %get3A_220 = arith.constant 0 : index
        %get3A_221 = tpu.vector_load %get3A_218[%get3A_219, %get3A_220] {strides = array<i32>} : memref<128x64xf32, #tpu.memory_space<vmem>>, vector<1x16xf32>,
        %get3A_222 = vector.shape_cast %get3A_221 : vector<1x16xf32> to vector<16xf32>
        %mul3A_223 = arith.constant 8.000000e+00 : f32
        %mul3A_224 = vector.broadcast %mul3A_223 : f32 to vector<16xf32>
        %mul3A_225 = arith.mulf %get3A_222, %mul3A_224 : vector<16xf32>
        %swap3A = arith.constant 0 : i32
        %swap3A_226 = arith.constant 0 : i32
        %swap3A_227 = tpu.memref_slice %arg6[%scan3A_87, %swap3A, %swap3A_226] : memref<4x128x64xf32, #tpu.memory_space<vmem>> -> memref<1x128x64xf32, #tpu.memory_space<vmem>>
        %swap3A_228 = tpu.memref_squeeze %swap3A_227 : memref<1x128x64xf32, #tpu.memory_space<vmem>> -> memref<128x64xf32, #tpu.memory_space<vmem>>
        %swap3A_229 = arith.index_cast %scan3A_214 : i32 to index
        %swap3A_230 = arith.constant 0 : index
        %swap3A_231 = tpu.vector_load %swap3A_228[%swap3A_229, %swap3A_230] {strides = array<i32>} : memref<128x64xf32, #tpu.memory_space<vmem>>, vector<1x16xf32>,
        %swap3A_232 = vector.shape_cast %swap3A_231 : vector<1x16xf32> to vector<16xf32>
        %swap3A_233 = vector.shape_cast %mul3A_225 : vector<16xf32> to vector<1x16xf32>
        tpu.vector_store %swap3A_228[%swap3A_229, %swap3A_230], %swap3A_233 {strides = array<i32>} : memref<128x64xf32, #tpu.memory_space<vmem>>, vector<1x16xf32>,
        %get3A_234 = arith.constant 0 : i32
        %get3A_235 = arith.constant 0 : i32
        %get3A_236 = tpu.memref_slice %arg6[%scan3A_87, %get3A_234, %get3A_235] : memref<4x128x64xf32, #tpu.memory_space<vmem>> -> memref<1x128x64xf32, #tpu.memory_space<vmem>>
        %get3A_237 = tpu.memref_squeeze %get3A_236 : memref<1x128x64xf32, #tpu.memory_space<vmem>> -> memref<128x64xf32, #tpu.memory_space<vmem>>
        %get3A_238 = arith.index_cast %scan3A_214 : i32 to index
        %get3A_239 = arith.constant 16 : index
        %get3A_240 = tpu.vector_load %get3A_237[%get3A_238, %get3A_239] {strides = array<i32>} : memref<128x64xf32, #tpu.memory_space<vmem>>, vector<1x16xf32>,
        %get3A_241 = vector.shape_cast %get3A_240 : vector<1x16xf32> to vector<16xf32>
        %mul3A_242 = arith.constant 8.000000e+00 : f32
        %mul3A_243 = vector.broadcast %mul3A_242 : f32 to vector<16xf32>
        %mul3A_244 = arith.mulf %get3A_241, %mul3A_243 : vector<16xf32>
        %swap3A_245 = arith.constant 0 : i32
        %swap3A_246 = arith.constant 0 : i32
        %swap3A_247 = tpu.memref_slice %arg6[%scan3A_87, %swap3A_245, %swap3A_246] : memref<4x128x64xf32, #tpu.memory_space<vmem>> -> memref<1x128x64xf32, #tpu.memory_space<vmem>>
        %swap3A_248 = tpu.memref_squeeze %swap3A_247 : memref<1x128x64xf32, #tpu.memory_space<vmem>> -> memref<128x64xf32, #tpu.memory_space<vmem>>
        %swap3A_249 = arith.index_cast %scan3A_214 : i32 to index
        %swap3A_250 = arith.constant 16 : index
        %swap3A_251 = tpu.vector_load %swap3A_248[%swap3A_249, %swap3A_250] {strides = array<i32>} : memref<128x64xf32, #tpu.memory_space<vmem>>, vector<1x16xf32>,
        %swap3A_252 = vector.shape_cast %swap3A_251 : vector<1x16xf32> to vector<16xf32>
        %swap3A_253 = vector.shape_cast %mul3A_244 : vector<16xf32> to vector<1x16xf32>
        tpu.vector_store %swap3A_248[%swap3A_249, %swap3A_250], %swap3A_253 {strides = array<i32>} : memref<128x64xf32, #tpu.memory_space<vmem>>, vector<1x16xf32>,
        %get3A_254 = arith.constant 0 : i32
        %get3A_255 = arith.constant 0 : i32
        %get3A_256 = tpu.memref_slice %arg6[%scan3A_87, %get3A_254, %get3A_255] : memref<4x128x64xf32, #tpu.memory_space<vmem>> -> memref<1x128x64xf32, #tpu.memory_space<vmem>>
        %get3A_257 = tpu.memref_squeeze %get3A_256 : memref<1x128x64xf32, #tpu.memory_space<vmem>> -> memref<128x64xf32, #tpu.memory_space<vmem>>
        %get3A_258 = arith.index_cast %scan3A_214 : i32 to index
        %get3A_259 = arith.constant 32 : index
        %get3A_260 = tpu.vector_load %get3A_257[%get3A_258, %get3A_259] {strides = array<i32>} : memref<128x64xf32, #tpu.memory_space<vmem>>, vector<1x16xf32>,
        %get3A_261 = vector.shape_cast %get3A_260 : vector<1x16xf32> to vector<16xf32>
        %mul3A_262 = arith.constant 8.000000e+00 : f32
        %mul3A_263 = vector.broadcast %mul3A_262 : f32 to vector<16xf32>
        %mul3A_264 = arith.mulf %get3A_261, %mul3A_263 : vector<16xf32>
        %swap3A_265 = arith.constant 0 : i32
        %swap3A_266 = arith.constant 0 : i32
        %swap3A_267 = tpu.memref_slice %arg6[%scan3A_87, %swap3A_265, %swap3A_266] : memref<4x128x64xf32, #tpu.memory_space<vmem>> -> memref<1x128x64xf32, #tpu.memory_space<vmem>>
        %swap3A_268 = tpu.memref_squeeze %swap3A_267 : memref<1x128x64xf32, #tpu.memory_space<vmem>> -> memref<128x64xf32, #tpu.memory_space<vmem>>
        %swap3A_269 = arith.index_cast %scan3A_214 : i32 to index
        %swap3A_270 = arith.constant 32 : index
        %swap3A_271 = tpu.vector_load %swap3A_268[%swap3A_269, %swap3A_270] {strides = array<i32>} : memref<128x64xf32, #tpu.memory_space<vmem>>, vector<1x16xf32>,
        %swap3A_272 = vector.shape_cast %swap3A_271 : vector<1x16xf32> to vector<16xf32>
        %swap3A_273 = vector.shape_cast %mul3A_264 : vector<16xf32> to vector<1x16xf32>
        tpu.vector_store %swap3A_268[%swap3A_269, %swap3A_270], %swap3A_273 {strides = array<i32>} : memref<128x64xf32, #tpu.memory_space<vmem>>, vector<1x16xf32>,
        %get3A_274 = arith.constant 0 : i32
        %get3A_275 = arith.constant 0 : i32
        %get3A_276 = tpu.memref_slice %arg6[%scan3A_87, %get3A_274, %get3A_275] : memref<4x128x64xf32, #tpu.memory_space<vmem>> -> memref<1x128x64xf32, #tpu.memory_space<vmem>>
        %get3A_277 = tpu.memref_squeeze %get3A_276 : memref<1x128x64xf32, #tpu.memory_space<vmem>> -> memref<128x64xf32, #tpu.memory_space<vmem>>
        %get3A_278 = arith.index_cast %scan3A_214 : i32 to index
        %get3A_279 = arith.constant 48 : index
        %get3A_280 = tpu.vector_load %get3A_277[%get3A_278, %get3A_279] {strides = array<i32>} : memref<128x64xf32, #tpu.memory_space<vmem>>, vector<1x16xf32>,
        %get3A_281 = vector.shape_cast %get3A_280 : vector<1x16xf32> to vector<16xf32>
        %mul3A_282 = arith.constant 8.000000e+00 : f32
        %mul3A_283 = vector.broadcast %mul3A_282 : f32 to vector<16xf32>
        %mul3A_284 = arith.mulf %get3A_281, %mul3A_283 : vector<16xf32>
        %swap3A_285 = arith.constant 0 : i32
        %swap3A_286 = arith.constant 0 : i32
        %swap3A_287 = tpu.memref_slice %arg6[%scan3A_87, %swap3A_285, %swap3A_286] : memref<4x128x64xf32, #tpu.memory_space<vmem>> -> memref<1x128x64xf32, #tpu.memory_space<vmem>>
        %swap3A_288 = tpu.memref_squeeze %swap3A_287 : memref<1x128x64xf32, #tpu.memory_space<vmem>> -> memref<128x64xf32, #tpu.memory_space<vmem>>
        %swap3A_289 = arith.index_cast %scan3A_214 : i32 to index
        %swap3A_290 = arith.constant 48 : index
        %swap3A_291 = tpu.vector_load %swap3A_288[%swap3A_289, %swap3A_290] {strides = array<i32>} : memref<128x64xf32, #tpu.memory_space<vmem>>, vector<1x16xf32>,
        %swap3A_292 = vector.shape_cast %swap3A_291 : vector<1x16xf32> to vector<16xf32>
        %swap3A_293 = vector.shape_cast %mul3A_284 : vector<16xf32> to vector<1x16xf32>
        tpu.vector_store %swap3A_288[%swap3A_289, %swap3A_290], %swap3A_293 {strides = array<i32>} : memref<128x64xf32, #tpu.memory_space<vmem>>, vector<1x16xf32>,
        %scan3A_294 = arith.constant 0 : i32
        scf.yield %scan3A_294 : i32
      }
      %scan3A_94 = arith.constant 128 : i32
      %add3A_95 = arith.addi %mul3A_2, %add3A_73 : i32
      %mul3A_96 = arith.constant 128 : i32
      %mul3A_97 = arith.muli %add3A_95, %mul3A_96 : i32
      %run_scoped3A = arith.constant 0 : i32
      "tpu.region"() ({
        %run_scoped3A_214 = tpu.sem_alloc : memref<!tpu.dma_semaphore, #tpu.memory_space<semaphore_mem>>
        %dma_start3A_215 = arith.constant 0 : i32
        %dma_start3A_216 = arith.constant 0 : i32
        %dma_start3A_217 = tpu.memref_slice %arg6[%run_scoped3A, %dma_start3A_215, %dma_start3A_216] : memref<4x128x64xf32, #tpu.memory_space<vmem>> -> memref<1x128x64xf32, #tpu.memory_space<vmem>>
        %dma_start3A_218 = tpu.memref_squeeze %dma_start3A_217 : memref<1x128x64xf32, #tpu.memory_space<vmem>> -> memref<128x64xf32, #tpu.memory_space<vmem>>
        %dma_start3A_219 = arith.constant 0 : i32
        %dma_start3A_220 = tpu.memref_slice %arg4[%mul3A_97, %dma_start3A_219] : memref<327680x64xf32, #tpu.memory_space<hbm>> -> memref<128x64xf32, #tpu.memory_space<hbm>>
        %dma_start3A_221 = arith.constant 0 : i32
        %dma_start3A_222 = tpu.memref_slice %arg4[%mul3A_97, %dma_start3A_221] : memref<327680x64xf32, #tpu.memory_space<hbm>> -> memref<128x64xf32, #tpu.memory_space<hbm>>
        %dma_start3A_223 = arith.constant 0 : i32
        %dma_start3A_224 = arith.constant 0 : i32
        %dma_start3A_225 = tpu.memref_slice %arg6[%run_scoped3A, %dma_start3A_223, %dma_start3A_224] : memref<4x128x64xf32, #tpu.memory_space<vmem>> -> memref<1x128x64xf32, #tpu.memory_space<vmem>>
        %dma_start3A_226 = tpu.memref_squeeze %dma_start3A_225 : memref<1x128x64xf32, #tpu.memory_space<vmem>> -> memref<128x64xf32, #tpu.memory_space<vmem>>
        tpu.enqueue_dma source(%dma_start3A_226 : memref<128x64xf32, #tpu.memory_space<vmem>>) target(%dma_start3A_222 : memref<128x64xf32, #tpu.memory_space<hbm>>) target_semaphore(%run_scoped3A_214 : memref<!tpu.dma_semaphore, #tpu.memory_space<semaphore_mem>>)
        %dma_wait3A_227 = arith.constant 0 : i32
        %dma_wait3A_228 = arith.constant 0 : i32
        %dma_wait3A_229 = tpu.memref_slice %arg6[%run_scoped3A, %dma_wait3A_227, %dma_wait3A_228] : memref<4x128x64xf32, #tpu.memory_space<vmem>> -> memref<1x128x64xf32, #tpu.memory_space<vmem>>
        %dma_wait3A_230 = tpu.memref_squeeze %dma_wait3A_229 : memref<1x128x64xf32, #tpu.memory_space<vmem>> -> memref<128x64xf32, #tpu.memory_space<vmem>>
        %dma_wait3A_231 = arith.constant 0 : i32
        %dma_wait3A_232 = tpu.memref_slice %arg4[%mul3A_97, %dma_wait3A_231] : memref<327680x64xf32, #tpu.memory_space<hbm>> -> memref<128x64xf32, #tpu.memory_space<hbm>>
        %dma_wait3A_233 = arith.constant 0 : i32
        %dma_wait3A_234 = tpu.memref_slice %arg4[%mul3A_97, %dma_wait3A_233] : memref<327680x64xf32, #tpu.memory_space<hbm>> -> memref<128x64xf32, #tpu.memory_space<hbm>>
        %dma_wait3A_235 = arith.constant 0 : i32
        %dma_wait3A_236 = arith.constant 0 : i32
        %dma_wait3A_237 = tpu.memref_slice %arg6[%run_scoped3A, %dma_wait3A_235, %dma_wait3A_236] : memref<4x128x64xf32, #tpu.memory_space<vmem>> -> memref<1x128x64xf32, #tpu.memory_space<vmem>>
        %dma_wait3A_238 = tpu.memref_squeeze %dma_wait3A_237 : memref<1x128x64xf32, #tpu.memory_space<vmem>> -> memref<128x64xf32, #tpu.memory_space<vmem>>
        tpu.wait_dma2 semaphore(%run_scoped3A_214 : memref<!tpu.dma_semaphore, #tpu.memory_space<semaphore_mem>>) src(%dma_wait3A_238 : memref<128x64xf32, #tpu.memory_space<vmem>>) dst(%dma_wait3A_234 : memref<128x64xf32, #tpu.memory_space<hbm>>)
        tpu.yield
      }) : () -> ()
      %add3A_98 = arith.constant 4 : i32
      %add3A_99 = arith.addi %add3A_73, %add3A_98 : i32
      %lt3A = arith.constant 80 : i32
      %lt3A_100 = arith.cmpi slt, %add3A_99, %lt3A : i32
      %convert_element_type3A = arith.extui %lt3A_100 : i1 to i32
      %cond3A = arith.constant 0 : i32
      %cond3A_101 = arith.cmpi ne, %convert_element_type3A, %cond3A : i32
      scf.if %cond3A_101 {
        %dma_start3A_214 = arith.constant 0 : i32
        %dma_start3A_215 = arith.constant 0 : i32
        %dma_start3A_216 = arith.constant 0 : i32
        %dma_start3A_217 = arith.constant 0 : i32
        %dma_start3A_218 = tpu.memref_slice %arg6[%dma_start3A_214, %dma_start3A_216, %dma_start3A_217] : memref<4x128x64xf32, #tpu.memory_space<vmem>> -> memref<1x128x64xf32, #tpu.memory_space<vmem>>
        %dma_start3A_219 = tpu.memref_squeeze %dma_start3A_218 : memref<1x128x64xf32, #tpu.memory_space<vmem>> -> memref<128x64xf32, #tpu.memory_space<vmem>>
        %dma_start3A_220 = arith.constant 0 : i32
        %dma_start3A_221 = tpu.memref_slice %arg5[%add3A_99, %dma_start3A_220] : memref<80x128xi32, #tpu.memory_space<vmem>> -> memref<1x128xi32, #tpu.memory_space<vmem>>
        %dma_start3A_222 = tpu.memref_squeeze %dma_start3A_221 : memref<1x128xi32, #tpu.memory_space<vmem>> -> memref<128xi32, #tpu.memory_space<vmem>>
        %dma_start3A_223 = arith.constant 0 : i32
        %dma_start3A_224 = arith.constant 0 : i32
        %dma_start3A_225 = tpu.memref_slice %arg3[%dma_start3A_223, %dma_start3A_224] : memref<1000000x64xf32, #tpu.memory_space<hbm>> -> memref<1000000x64xf32, #tpu.memory_space<hbm>>
        %dma_start3A_226 = tpu.memref_slice %arg7[%dma_start3A_215] : memref<4x!tpu.dma_semaphore, #tpu.memory_space<semaphore_mem>> -> memref<1x!tpu.dma_semaphore, #tpu.memory_space<semaphore_mem>>
        %dma_start3A_227 = tpu.memref_squeeze %dma_start3A_226 : memref<1x!tpu.dma_semaphore, #tpu.memory_space<semaphore_mem>> -> memref<!tpu.dma_semaphore, #tpu.memory_space<semaphore_mem>>
        tpu.enqueue_indirect_dma source(%dma_start3A_225 : memref<1000000x64xf32, #tpu.memory_space<hbm>>) target(%dma_start3A_219 : memref<128x64xf32, #tpu.memory_space<vmem>>) offsets(%dma_start3A_222 : memref<128xi32, #tpu.memory_space<vmem>>) semaphore(%dma_start3A_227 : memref<!tpu.dma_semaphore, #tpu.memory_space<semaphore_mem>>)
      } else {
      }
      %mul3A_102 = arith.constant 4 : i32
      %mul3A_103 = arith.muli %scan3A_68, %mul3A_102 : i32
      %add3A_104 = arith.constant 1 : i32
      %add3A_105 = arith.addi %mul3A_103, %add3A_104 : i32
      %dma_wait3A_106 = arith.constant 1 : i32
      %dma_wait3A_107 = arith.constant 1 : i32
      %dma_wait3A_108 = arith.constant 0 : i32
      %dma_wait3A_109 = arith.constant 0 : i32
      %dma_wait3A_110 = tpu.memref_slice %arg6[%dma_wait3A_106, %dma_wait3A_108, %dma_wait3A_109] : memref<4x128x64xf32, #tpu.memory_space<vmem>> -> memref<1x128x64xf32, #tpu.memory_space<vmem>>
      %dma_wait3A_111 = tpu.memref_squeeze %dma_wait3A_110 : memref<1x128x64xf32, #tpu.memory_space<vmem>> -> memref<128x64xf32, #tpu.memory_space<vmem>>
      %dma_wait3A_112 = arith.constant 0 : i32
      %dma_wait3A_113 = tpu.memref_slice %arg5[%add3A_105, %dma_wait3A_112] : memref<80x128xi32, #tpu.memory_space<vmem>> -> memref<1x128xi32, #tpu.memory_space<vmem>>
      %dma_wait3A_114 = tpu.memref_squeeze %dma_wait3A_113 : memref<1x128xi32, #tpu.memory_space<vmem>> -> memref<128xi32, #tpu.memory_space<vmem>>
      %dma_wait3A_115 = arith.constant 0 : i32
      %dma_wait3A_116 = arith.constant 0 : i32
      %dma_wait3A_117 = tpu.memref_slice %arg3[%dma_wait3A_115, %dma_wait3A_116] : memref<1000000x64xf32, #tpu.memory_space<hbm>> -> memref<1000000x64xf32, #tpu.memory_space<hbm>>
      %dma_wait3A_118 = tpu.memref_slice %arg7[%dma_wait3A_107] : memref<4x!tpu.dma_semaphore, #tpu.memory_space<semaphore_mem>> -> memref<1x!tpu.dma_semaphore, #tpu.memory_space<semaphore_mem>>
      %dma_wait3A_119 = tpu.memref_squeeze %dma_wait3A_118 : memref<1x!tpu.dma_semaphore, #tpu.memory_space<semaphore_mem>> -> memref<!tpu.dma_semaphore, #tpu.memory_space<semaphore_mem>>
      tpu.wait_indirect_dma semaphore(%dma_wait3A_119 : memref<!tpu.dma_semaphore, #tpu.memory_space<semaphore_mem>>) src(%dma_wait3A_117 : memref<1000000x64xf32, #tpu.memory_space<hbm>>) dst(%dma_wait3A_111 : memref<128x64xf32, #tpu.memory_space<vmem>>)
      %scan3A_120 = arith.constant 1 : i32
      %scan3A_121 = arith.constant 0 : i32
      %scan3A_122 = arith.constant 0 : i32
      %scan3A_123 = arith.constant 128 : i32
      %scan3A_124 = arith.addi %scan3A_122, %scan3A_123 : i32
      %scan3A_125 = arith.constant 1 : i32
      %scan3A_126 = scf.for %scan3A_214 = %scan3A_122 to %scan3A_124 step %scan3A_125 iter_args(%scan3A_215 = %scan3A_121) -> (i32)  : i32 {
        %get3A = arith.constant 0 : i32
        %get3A_216 = arith.constant 0 : i32
        %get3A_217 = tpu.memref_slice %arg6[%scan3A_120, %get3A, %get3A_216] : memref<4x128x64xf32, #tpu.memory_space<vmem>> -> memref<1x128x64xf32, #tpu.memory_space<vmem>>
        %get3A_218 = tpu.memref_squeeze %get3A_217 : memref<1x128x64xf32, #tpu.memory_space<vmem>> -> memref<128x64xf32, #tpu.memory_space<vmem>>
        %get3A_219 = arith.index_cast %scan3A_214 : i32 to index
        %get3A_220 = arith.constant 0 : index
        %get3A_221 = tpu.vector_load %get3A_218[%get3A_219, %get3A_220] {strides = array<i32>} : memref<128x64xf32, #tpu.memory_space<vmem>>, vector<1x16xf32>,
        %get3A_222 = vector.shape_cast %get3A_221 : vector<1x16xf32> to vector<16xf32>
        %mul3A_223 = arith.constant 8.000000e+00 : f32
        %mul3A_224 = vector.broadcast %mul3A_223 : f32 to vector<16xf32>
        %mul3A_225 = arith.mulf %get3A_222, %mul3A_224 : vector<16xf32>
        %swap3A = arith.constant 0 : i32
        %swap3A_226 = arith.constant 0 : i32
        %swap3A_227 = tpu.memref_slice %arg6[%scan3A_120, %swap3A, %swap3A_226] : memref<4x128x64xf32, #tpu.memory_space<vmem>> -> memref<1x128x64xf32, #tpu.memory_space<vmem>>
        %swap3A_228 = tpu.memref_squeeze %swap3A_227 : memref<1x128x64xf32, #tpu.memory_space<vmem>> -> memref<128x64xf32, #tpu.memory_space<vmem>>
        %swap3A_229 = arith.index_cast %scan3A_214 : i32 to index
        %swap3A_230 = arith.constant 0 : index
        %swap3A_231 = tpu.vector_load %swap3A_228[%swap3A_229, %swap3A_230] {strides = array<i32>} : memref<128x64xf32, #tpu.memory_space<vmem>>, vector<1x16xf32>,
        %swap3A_232 = vector.shape_cast %swap3A_231 : vector<1x16xf32> to vector<16xf32>
        %swap3A_233 = vector.shape_cast %mul3A_225 : vector<16xf32> to vector<1x16xf32>
        tpu.vector_store %swap3A_228[%swap3A_229, %swap3A_230], %swap3A_233 {strides = array<i32>} : memref<128x64xf32, #tpu.memory_space<vmem>>, vector<1x16xf32>,
        %get3A_234 = arith.constant 0 : i32
        %get3A_235 = arith.constant 0 : i32
        %get3A_236 = tpu.memref_slice %arg6[%scan3A_120, %get3A_234, %get3A_235] : memref<4x128x64xf32, #tpu.memory_space<vmem>> -> memref<1x128x64xf32, #tpu.memory_space<vmem>>
        %get3A_237 = tpu.memref_squeeze %get3A_236 : memref<1x128x64xf32, #tpu.memory_space<vmem>> -> memref<128x64xf32, #tpu.memory_space<vmem>>
        %get3A_238 = arith.index_cast %scan3A_214 : i32 to index
        %get3A_239 = arith.constant 16 : index
        %get3A_240 = tpu.vector_load %get3A_237[%get3A_238, %get3A_239] {strides = array<i32>} : memref<128x64xf32, #tpu.memory_space<vmem>>, vector<1x16xf32>,
        %get3A_241 = vector.shape_cast %get3A_240 : vector<1x16xf32> to vector<16xf32>
        %mul3A_242 = arith.constant 8.000000e+00 : f32
        %mul3A_243 = vector.broadcast %mul3A_242 : f32 to vector<16xf32>
        %mul3A_244 = arith.mulf %get3A_241, %mul3A_243 : vector<16xf32>
        %swap3A_245 = arith.constant 0 : i32
        %swap3A_246 = arith.constant 0 : i32
        %swap3A_247 = tpu.memref_slice %arg6[%scan3A_120, %swap3A_245, %swap3A_246] : memref<4x128x64xf32, #tpu.memory_space<vmem>> -> memref<1x128x64xf32, #tpu.memory_space<vmem>>
        %swap3A_248 = tpu.memref_squeeze %swap3A_247 : memref<1x128x64xf32, #tpu.memory_space<vmem>> -> memref<128x64xf32, #tpu.memory_space<vmem>>
        %swap3A_249 = arith.index_cast %scan3A_214 : i32 to index
        %swap3A_250 = arith.constant 16 : index
        %swap3A_251 = tpu.vector_load %swap3A_248[%swap3A_249, %swap3A_250] {strides = array<i32>} : memref<128x64xf32, #tpu.memory_space<vmem>>, vector<1x16xf32>,
        %swap3A_252 = vector.shape_cast %swap3A_251 : vector<1x16xf32> to vector<16xf32>
        %swap3A_253 = vector.shape_cast %mul3A_244 : vector<16xf32> to vector<1x16xf32>
        tpu.vector_store %swap3A_248[%swap3A_249, %swap3A_250], %swap3A_253 {strides = array<i32>} : memref<128x64xf32, #tpu.memory_space<vmem>>, vector<1x16xf32>,
        %get3A_254 = arith.constant 0 : i32
        %get3A_255 = arith.constant 0 : i32
        %get3A_256 = tpu.memref_slice %arg6[%scan3A_120, %get3A_254, %get3A_255] : memref<4x128x64xf32, #tpu.memory_space<vmem>> -> memref<1x128x64xf32, #tpu.memory_space<vmem>>
        %get3A_257 = tpu.memref_squeeze %get3A_256 : memref<1x128x64xf32, #tpu.memory_space<vmem>> -> memref<128x64xf32, #tpu.memory_space<vmem>>
        %get3A_258 = arith.index_cast %scan3A_214 : i32 to index
        %get3A_259 = arith.constant 32 : index
        %get3A_260 = tpu.vector_load %get3A_257[%get3A_258, %get3A_259] {strides = array<i32>} : memref<128x64xf32, #tpu.memory_space<vmem>>, vector<1x16xf32>,
        %get3A_261 = vector.shape_cast %get3A_260 : vector<1x16xf32> to vector<16xf32>
        %mul3A_262 = arith.constant 8.000000e+00 : f32
        %mul3A_263 = vector.broadcast %mul3A_262 : f32 to vector<16xf32>
        %mul3A_264 = arith.mulf %get3A_261, %mul3A_263 : vector<16xf32>
        %swap3A_265 = arith.constant 0 : i32
        %swap3A_266 = arith.constant 0 : i32
        %swap3A_267 = tpu.memref_slice %arg6[%scan3A_120, %swap3A_265, %swap3A_266] : memref<4x128x64xf32, #tpu.memory_space<vmem>> -> memref<1x128x64xf32, #tpu.memory_space<vmem>>
        %swap3A_268 = tpu.memref_squeeze %swap3A_267 : memref<1x128x64xf32, #tpu.memory_space<vmem>> -> memref<128x64xf32, #tpu.memory_space<vmem>>
        %swap3A_269 = arith.index_cast %scan3A_214 : i32 to index
        %swap3A_270 = arith.constant 32 : index
        %swap3A_271 = tpu.vector_load %swap3A_268[%swap3A_269, %swap3A_270] {strides = array<i32>} : memref<128x64xf32, #tpu.memory_space<vmem>>, vector<1x16xf32>,
        %swap3A_272 = vector.shape_cast %swap3A_271 : vector<1x16xf32> to vector<16xf32>
        %swap3A_273 = vector.shape_cast %mul3A_264 : vector<16xf32> to vector<1x16xf32>
        tpu.vector_store %swap3A_268[%swap3A_269, %swap3A_270], %swap3A_273 {strides = array<i32>} : memref<128x64xf32, #tpu.memory_space<vmem>>, vector<1x16xf32>,
        %get3A_274 = arith.constant 0 : i32
        %get3A_275 = arith.constant 0 : i32
        %get3A_276 = tpu.memref_slice %arg6[%scan3A_120, %get3A_274, %get3A_275] : memref<4x128x64xf32, #tpu.memory_space<vmem>> -> memref<1x128x64xf32, #tpu.memory_space<vmem>>
        %get3A_277 = tpu.memref_squeeze %get3A_276 : memref<1x128x64xf32, #tpu.memory_space<vmem>> -> memref<128x64xf32, #tpu.memory_space<vmem>>
        %get3A_278 = arith.index_cast %scan3A_214 : i32 to index
        %get3A_279 = arith.constant 48 : index
        %get3A_280 = tpu.vector_load %get3A_277[%get3A_278, %get3A_279] {strides = array<i32>} : memref<128x64xf32, #tpu.memory_space<vmem>>, vector<1x16xf32>,
        %get3A_281 = vector.shape_cast %get3A_280 : vector<1x16xf32> to vector<16xf32>
        %mul3A_282 = arith.constant 8.000000e+00 : f32
        %mul3A_283 = vector.broadcast %mul3A_282 : f32 to vector<16xf32>
        %mul3A_284 = arith.mulf %get3A_281, %mul3A_283 : vector<16xf32>
        %swap3A_285 = arith.constant 0 : i32
        %swap3A_286 = arith.constant 0 : i32
        %swap3A_287 = tpu.memref_slice %arg6[%scan3A_120, %swap3A_285, %swap3A_286] : memref<4x128x64xf32, #tpu.memory_space<vmem>> -> memref<1x128x64xf32, #tpu.memory_space<vmem>>
        %swap3A_288 = tpu.memref_squeeze %swap3A_287 : memref<1x128x64xf32, #tpu.memory_space<vmem>> -> memref<128x64xf32, #tpu.memory_space<vmem>>
        %swap3A_289 = arith.index_cast %scan3A_214 : i32 to index
        %swap3A_290 = arith.constant 48 : index
        %swap3A_291 = tpu.vector_load %swap3A_288[%swap3A_289, %swap3A_290] {strides = array<i32>} : memref<128x64xf32, #tpu.memory_space<vmem>>, vector<1x16xf32>,
        %swap3A_292 = vector.shape_cast %swap3A_291 : vector<1x16xf32> to vector<16xf32>
        %swap3A_293 = vector.shape_cast %mul3A_284 : vector<16xf32> to vector<1x16xf32>
        tpu.vector_store %swap3A_288[%swap3A_289, %swap3A_290], %swap3A_293 {strides = array<i32>} : memref<128x64xf32, #tpu.memory_space<vmem>>, vector<1x16xf32>,
        %scan3A_294 = arith.constant 0 : i32
        scf.yield %scan3A_294 : i32
      }
      %scan3A_127 = arith.constant 128 : i32
      %add3A_128 = arith.addi %mul3A_2, %add3A_105 : i32
      %mul3A_129 = arith.constant 128 : i32
      %mul3A_130 = arith.muli %add3A_128, %mul3A_129 : i32
      %run_scoped3A_131 = arith.constant 1 : i32
      "tpu.region"() ({
        %run_scoped3A_214 = tpu.sem_alloc : memref<!tpu.dma_semaphore, #tpu.memory_space<semaphore_mem>>
        %dma_start3A_215 = arith.constant 0 : i32
        %dma_start3A_216 = arith.constant 0 : i32
        %dma_start3A_217 = tpu.memref_slice %arg6[%run_scoped3A_131, %dma_start3A_215, %dma_start3A_216] : memref<4x128x64xf32, #tpu.memory_space<vmem>> -> memref<1x128x64xf32, #tpu.memory_space<vmem>>
        %dma_start3A_218 = tpu.memref_squeeze %dma_start3A_217 : memref<1x128x64xf32, #tpu.memory_space<vmem>> -> memref<128x64xf32, #tpu.memory_space<vmem>>
        %dma_start3A_219 = arith.constant 0 : i32
        %dma_start3A_220 = tpu.memref_slice %arg4[%mul3A_130, %dma_start3A_219] : memref<327680x64xf32, #tpu.memory_space<hbm>> -> memref<128x64xf32, #tpu.memory_space<hbm>>
        %dma_start3A_221 = arith.constant 0 : i32
        %dma_start3A_222 = tpu.memref_slice %arg4[%mul3A_130, %dma_start3A_221] : memref<327680x64xf32, #tpu.memory_space<hbm>> -> memref<128x64xf32, #tpu.memory_space<hbm>>
        %dma_start3A_223 = arith.constant 0 : i32
        %dma_start3A_224 = arith.constant 0 : i32
        %dma_start3A_225 = tpu.memref_slice %arg6[%run_scoped3A_131, %dma_start3A_223, %dma_start3A_224] : memref<4x128x64xf32, #tpu.memory_space<vmem>> -> memref<1x128x64xf32, #tpu.memory_space<vmem>>
        %dma_start3A_226 = tpu.memref_squeeze %dma_start3A_225 : memref<1x128x64xf32, #tpu.memory_space<vmem>> -> memref<128x64xf32, #tpu.memory_space<vmem>>
        tpu.enqueue_dma source(%dma_start3A_226 : memref<128x64xf32, #tpu.memory_space<vmem>>) target(%dma_start3A_222 : memref<128x64xf32, #tpu.memory_space<hbm>>) target_semaphore(%run_scoped3A_214 : memref<!tpu.dma_semaphore, #tpu.memory_space<semaphore_mem>>)
        %dma_wait3A_227 = arith.constant 0 : i32
        %dma_wait3A_228 = arith.constant 0 : i32
        %dma_wait3A_229 = tpu.memref_slice %arg6[%run_scoped3A_131, %dma_wait3A_227, %dma_wait3A_228] : memref<4x128x64xf32, #tpu.memory_space<vmem>> -> memref<1x128x64xf32, #tpu.memory_space<vmem>>
        %dma_wait3A_230 = tpu.memref_squeeze %dma_wait3A_229 : memref<1x128x64xf32, #tpu.memory_space<vmem>> -> memref<128x64xf32, #tpu.memory_space<vmem>>
        %dma_wait3A_231 = arith.constant 0 : i32
        %dma_wait3A_232 = tpu.memref_slice %arg4[%mul3A_130, %dma_wait3A_231] : memref<327680x64xf32, #tpu.memory_space<hbm>> -> memref<128x64xf32, #tpu.memory_space<hbm>>
        %dma_wait3A_233 = arith.constant 0 : i32
        %dma_wait3A_234 = tpu.memref_slice %arg4[%mul3A_130, %dma_wait3A_233] : memref<327680x64xf32, #tpu.memory_space<hbm>> -> memref<128x64xf32, #tpu.memory_space<hbm>>
        %dma_wait3A_235 = arith.constant 0 : i32
        %dma_wait3A_236 = arith.constant 0 : i32
        %dma_wait3A_237 = tpu.memref_slice %arg6[%run_scoped3A_131, %dma_wait3A_235, %dma_wait3A_236] : memref<4x128x64xf32, #tpu.memory_space<vmem>> -> memref<1x128x64xf32, #tpu.memory_space<vmem>>
        %dma_wait3A_238 = tpu.memref_squeeze %dma_wait3A_237 : memref<1x128x64xf32, #tpu.memory_space<vmem>> -> memref<128x64xf32, #tpu.memory_space<vmem>>
        tpu.wait_dma2 semaphore(%run_scoped3A_214 : memref<!tpu.dma_semaphore, #tpu.memory_space<semaphore_mem>>) src(%dma_wait3A_238 : memref<128x64xf32, #tpu.memory_space<vmem>>) dst(%dma_wait3A_234 : memref<128x64xf32, #tpu.memory_space<hbm>>)
        tpu.yield
      }) : () -> ()
      %add3A_132 = arith.constant 4 : i32
      %add3A_133 = arith.addi %add3A_105, %add3A_132 : i32
      %lt3A_134 = arith.constant 80 : i32
      %lt3A_135 = arith.cmpi slt, %add3A_133, %lt3A_134 : i32
      %convert_element_type3A_136 = arith.extui %lt3A_135 : i1 to i32
      %cond3A_137 = arith.constant 0 : i32
      %cond3A_138 = arith.cmpi ne, %convert_element_type3A_136, %cond3A_137 : i32
      scf.if %cond3A_138 {
        %dma_start3A_214 = arith.constant 1 : i32
        %dma_start3A_215 = arith.constant 1 : i32
        %dma_start3A_216 = arith.constant 0 : i32
        %dma_start3A_217 = arith.constant 0 : i32
        %dma_start3A_218 = tpu.memref_slice %arg6[%dma_start3A_214, %dma_start3A_216, %dma_start3A_217] : memref<4x128x64xf32, #tpu.memory_space<vmem>> -> memref<1x128x64xf32, #tpu.memory_space<vmem>>
        %dma_start3A_219 = tpu.memref_squeeze %dma_start3A_218 : memref<1x128x64xf32, #tpu.memory_space<vmem>> -> memref<128x64xf32, #tpu.memory_space<vmem>>
        %dma_start3A_220 = arith.constant 0 : i32
        %dma_start3A_221 = tpu.memref_slice %arg5[%add3A_133, %dma_start3A_220] : memref<80x128xi32, #tpu.memory_space<vmem>> -> memref<1x128xi32, #tpu.memory_space<vmem>>
        %dma_start3A_222 = tpu.memref_squeeze %dma_start3A_221 : memref<1x128xi32, #tpu.memory_space<vmem>> -> memref<128xi32, #tpu.memory_space<vmem>>
        %dma_start3A_223 = arith.constant 0 : i32
        %dma_start3A_224 = arith.constant 0 : i32
        %dma_start3A_225 = tpu.memref_slice %arg3[%dma_start3A_223, %dma_start3A_224] : memref<1000000x64xf32, #tpu.memory_space<hbm>> -> memref<1000000x64xf32, #tpu.memory_space<hbm>>
        %dma_start3A_226 = tpu.memref_slice %arg7[%dma_start3A_215] : memref<4x!tpu.dma_semaphore, #tpu.memory_space<semaphore_mem>> -> memref<1x!tpu.dma_semaphore, #tpu.memory_space<semaphore_mem>>
        %dma_start3A_227 = tpu.memref_squeeze %dma_start3A_226 : memref<1x!tpu.dma_semaphore, #tpu.memory_space<semaphore_mem>> -> memref<!tpu.dma_semaphore, #tpu.memory_space<semaphore_mem>>
        tpu.enqueue_indirect_dma source(%dma_start3A_225 : memref<1000000x64xf32, #tpu.memory_space<hbm>>) target(%dma_start3A_219 : memref<128x64xf32, #tpu.memory_space<vmem>>) offsets(%dma_start3A_222 : memref<128xi32, #tpu.memory_space<vmem>>) semaphore(%dma_start3A_227 : memref<!tpu.dma_semaphore, #tpu.memory_space<semaphore_mem>>)
      } else {
      }
      %mul3A_139 = arith.constant 4 : i32
      %mul3A_140 = arith.muli %scan3A_68, %mul3A_139 : i32
      %add3A_141 = arith.constant 2 : i32
      %add3A_142 = arith.addi %mul3A_140, %add3A_141 : i32
      %dma_wait3A_143 = arith.constant 2 : i32
      %dma_wait3A_144 = arith.constant 2 : i32
      %dma_wait3A_145 = arith.constant 0 : i32
      %dma_wait3A_146 = arith.constant 0 : i32
      %dma_wait3A_147 = tpu.memref_slice %arg6[%dma_wait3A_143, %dma_wait3A_145, %dma_wait3A_146] : memref<4x128x64xf32, #tpu.memory_space<vmem>> -> memref<1x128x64xf32, #tpu.memory_space<vmem>>
      %dma_wait3A_148 = tpu.memref_squeeze %dma_wait3A_147 : memref<1x128x64xf32, #tpu.memory_space<vmem>> -> memref<128x64xf32, #tpu.memory_space<vmem>>
      %dma_wait3A_149 = arith.constant 0 : i32
      %dma_wait3A_150 = tpu.memref_slice %arg5[%add3A_142, %dma_wait3A_149] : memref<80x128xi32, #tpu.memory_space<vmem>> -> memref<1x128xi32, #tpu.memory_space<vmem>>
      %dma_wait3A_151 = tpu.memref_squeeze %dma_wait3A_150 : memref<1x128xi32, #tpu.memory_space<vmem>> -> memref<128xi32, #tpu.memory_space<vmem>>
      %dma_wait3A_152 = arith.constant 0 : i32
      %dma_wait3A_153 = arith.constant 0 : i32
      %dma_wait3A_154 = tpu.memref_slice %arg3[%dma_wait3A_152, %dma_wait3A_153] : memref<1000000x64xf32, #tpu.memory_space<hbm>> -> memref<1000000x64xf32, #tpu.memory_space<hbm>>
      %dma_wait3A_155 = tpu.memref_slice %arg7[%dma_wait3A_144] : memref<4x!tpu.dma_semaphore, #tpu.memory_space<semaphore_mem>> -> memref<1x!tpu.dma_semaphore, #tpu.memory_space<semaphore_mem>>
      %dma_wait3A_156 = tpu.memref_squeeze %dma_wait3A_155 : memref<1x!tpu.dma_semaphore, #tpu.memory_space<semaphore_mem>> -> memref<!tpu.dma_semaphore, #tpu.memory_space<semaphore_mem>>
      tpu.wait_indirect_dma semaphore(%dma_wait3A_156 : memref<!tpu.dma_semaphore, #tpu.memory_space<semaphore_mem>>) src(%dma_wait3A_154 : memref<1000000x64xf32, #tpu.memory_space<hbm>>) dst(%dma_wait3A_148 : memref<128x64xf32, #tpu.memory_space<vmem>>)
      %scan3A_157 = arith.constant 2 : i32
      %scan3A_158 = arith.constant 0 : i32
      %scan3A_159 = arith.constant 0 : i32
      %scan3A_160 = arith.constant 128 : i32
      %scan3A_161 = arith.addi %scan3A_159, %scan3A_160 : i32
      %scan3A_162 = arith.constant 1 : i32
      %scan3A_163 = scf.for %scan3A_214 = %scan3A_159 to %scan3A_161 step %scan3A_162 iter_args(%scan3A_215 = %scan3A_158) -> (i32)  : i32 {
        %get3A = arith.constant 0 : i32
        %get3A_216 = arith.constant 0 : i32
        %get3A_217 = tpu.memref_slice %arg6[%scan3A_157, %get3A, %get3A_216] : memref<4x128x64xf32, #tpu.memory_space<vmem>> -> memref<1x128x64xf32, #tpu.memory_space<vmem>>
        %get3A_218 = tpu.memref_squeeze %get3A_217 : memref<1x128x64xf32, #tpu.memory_space<vmem>> -> memref<128x64xf32, #tpu.memory_space<vmem>>
        %get3A_219 = arith.index_cast %scan3A_214 : i32 to index
        %get3A_220 = arith.constant 0 : index
        %get3A_221 = tpu.vector_load %get3A_218[%get3A_219, %get3A_220] {strides = array<i32>} : memref<128x64xf32, #tpu.memory_space<vmem>>, vector<1x16xf32>,
        %get3A_222 = vector.shape_cast %get3A_221 : vector<1x16xf32> to vector<16xf32>
        %mul3A_223 = arith.constant 8.000000e+00 : f32
        %mul3A_224 = vector.broadcast %mul3A_223 : f32 to vector<16xf32>
        %mul3A_225 = arith.mulf %get3A_222, %mul3A_224 : vector<16xf32>
        %swap3A = arith.constant 0 : i32
        %swap3A_226 = arith.constant 0 : i32
        %swap3A_227 = tpu.memref_slice %arg6[%scan3A_157, %swap3A, %swap3A_226] : memref<4x128x64xf32, #tpu.memory_space<vmem>> -> memref<1x128x64xf32, #tpu.memory_space<vmem>>
        %swap3A_228 = tpu.memref_squeeze %swap3A_227 : memref<1x128x64xf32, #tpu.memory_space<vmem>> -> memref<128x64xf32, #tpu.memory_space<vmem>>
        %swap3A_229 = arith.index_cast %scan3A_214 : i32 to index
        %swap3A_230 = arith.constant 0 : index
        %swap3A_231 = tpu.vector_load %swap3A_228[%swap3A_229, %swap3A_230] {strides = array<i32>} : memref<128x64xf32, #tpu.memory_space<vmem>>, vector<1x16xf32>,
        %swap3A_232 = vector.shape_cast %swap3A_231 : vector<1x16xf32> to vector<16xf32>
        %swap3A_233 = vector.shape_cast %mul3A_225 : vector<16xf32> to vector<1x16xf32>
        tpu.vector_store %swap3A_228[%swap3A_229, %swap3A_230], %swap3A_233 {strides = array<i32>} : memref<128x64xf32, #tpu.memory_space<vmem>>, vector<1x16xf32>,
        %get3A_234 = arith.constant 0 : i32
        %get3A_235 = arith.constant 0 : i32
        %get3A_236 = tpu.memref_slice %arg6[%scan3A_157, %get3A_234, %get3A_235] : memref<4x128x64xf32, #tpu.memory_space<vmem>> -> memref<1x128x64xf32, #tpu.memory_space<vmem>>
        %get3A_237 = tpu.memref_squeeze %get3A_236 : memref<1x128x64xf32, #tpu.memory_space<vmem>> -> memref<128x64xf32, #tpu.memory_space<vmem>>
        %get3A_238 = arith.index_cast %scan3A_214 : i32 to index
        %get3A_239 = arith.constant 16 : index
        %get3A_240 = tpu.vector_load %get3A_237[%get3A_238, %get3A_239] {strides = array<i32>} : memref<128x64xf32, #tpu.memory_space<vmem>>, vector<1x16xf32>,
        %get3A_241 = vector.shape_cast %get3A_240 : vector<1x16xf32> to vector<16xf32>
        %mul3A_242 = arith.constant 8.000000e+00 : f32
        %mul3A_243 = vector.broadcast %mul3A_242 : f32 to vector<16xf32>
        %mul3A_244 = arith.mulf %get3A_241, %mul3A_243 : vector<16xf32>
        %swap3A_245 = arith.constant 0 : i32
        %swap3A_246 = arith.constant 0 : i32
        %swap3A_247 = tpu.memref_slice %arg6[%scan3A_157, %swap3A_245, %swap3A_246] : memref<4x128x64xf32, #tpu.memory_space<vmem>> -> memref<1x128x64xf32, #tpu.memory_space<vmem>>
        %swap3A_248 = tpu.memref_squeeze %swap3A_247 : memref<1x128x64xf32, #tpu.memory_space<vmem>> -> memref<128x64xf32, #tpu.memory_space<vmem>>
        %swap3A_249 = arith.index_cast %scan3A_214 : i32 to index
        %swap3A_250 = arith.constant 16 : index
        %swap3A_251 = tpu.vector_load %swap3A_248[%swap3A_249, %swap3A_250] {strides = array<i32>} : memref<128x64xf32, #tpu.memory_space<vmem>>, vector<1x16xf32>,
        %swap3A_252 = vector.shape_cast %swap3A_251 : vector<1x16xf32> to vector<16xf32>
        %swap3A_253 = vector.shape_cast %mul3A_244 : vector<16xf32> to vector<1x16xf32>
        tpu.vector_store %swap3A_248[%swap3A_249, %swap3A_250], %swap3A_253 {strides = array<i32>} : memref<128x64xf32, #tpu.memory_space<vmem>>, vector<1x16xf32>,
        %get3A_254 = arith.constant 0 : i32
        %get3A_255 = arith.constant 0 : i32
        %get3A_256 = tpu.memref_slice %arg6[%scan3A_157, %get3A_254, %get3A_255] : memref<4x128x64xf32, #tpu.memory_space<vmem>> -> memref<1x128x64xf32, #tpu.memory_space<vmem>>
        %get3A_257 = tpu.memref_squeeze %get3A_256 : memref<1x128x64xf32, #tpu.memory_space<vmem>> -> memref<128x64xf32, #tpu.memory_space<vmem>>
        %get3A_258 = arith.index_cast %scan3A_214 : i32 to index
        %get3A_259 = arith.constant 32 : index
        %get3A_260 = tpu.vector_load %get3A_257[%get3A_258, %get3A_259] {strides = array<i32>} : memref<128x64xf32, #tpu.memory_space<vmem>>, vector<1x16xf32>,
        %get3A_261 = vector.shape_cast %get3A_260 : vector<1x16xf32> to vector<16xf32>
        %mul3A_262 = arith.constant 8.000000e+00 : f32
        %mul3A_263 = vector.broadcast %mul3A_262 : f32 to vector<16xf32>
        %mul3A_264 = arith.mulf %get3A_261, %mul3A_263 : vector<16xf32>
        %swap3A_265 = arith.constant 0 : i32
        %swap3A_266 = arith.constant 0 : i32
        %swap3A_267 = tpu.memref_slice %arg6[%scan3A_157, %swap3A_265, %swap3A_266] : memref<4x128x64xf32, #tpu.memory_space<vmem>> -> memref<1x128x64xf32, #tpu.memory_space<vmem>>
        %swap3A_268 = tpu.memref_squeeze %swap3A_267 : memref<1x128x64xf32, #tpu.memory_space<vmem>> -> memref<128x64xf32, #tpu.memory_space<vmem>>
        %swap3A_269 = arith.index_cast %scan3A_214 : i32 to index
        %swap3A_270 = arith.constant 32 : index
        %swap3A_271 = tpu.vector_load %swap3A_268[%swap3A_269, %swap3A_270] {strides = array<i32>} : memref<128x64xf32, #tpu.memory_space<vmem>>, vector<1x16xf32>,
        %swap3A_272 = vector.shape_cast %swap3A_271 : vector<1x16xf32> to vector<16xf32>
        %swap3A_273 = vector.shape_cast %mul3A_264 : vector<16xf32> to vector<1x16xf32>
        tpu.vector_store %swap3A_268[%swap3A_269, %swap3A_270], %swap3A_273 {strides = array<i32>} : memref<128x64xf32, #tpu.memory_space<vmem>>, vector<1x16xf32>,
        %get3A_274 = arith.constant 0 : i32
        %get3A_275 = arith.constant 0 : i32
        %get3A_276 = tpu.memref_slice %arg6[%scan3A_157, %get3A_274, %get3A_275] : memref<4x128x64xf32, #tpu.memory_space<vmem>> -> memref<1x128x64xf32, #tpu.memory_space<vmem>>
        %get3A_277 = tpu.memref_squeeze %get3A_276 : memref<1x128x64xf32, #tpu.memory_space<vmem>> -> memref<128x64xf32, #tpu.memory_space<vmem>>
        %get3A_278 = arith.index_cast %scan3A_214 : i32 to index
        %get3A_279 = arith.constant 48 : index
        %get3A_280 = tpu.vector_load %get3A_277[%get3A_278, %get3A_279] {strides = array<i32>} : memref<128x64xf32, #tpu.memory_space<vmem>>, vector<1x16xf32>,
        %get3A_281 = vector.shape_cast %get3A_280 : vector<1x16xf32> to vector<16xf32>
        %mul3A_282 = arith.constant 8.000000e+00 : f32
        %mul3A_283 = vector.broadcast %mul3A_282 : f32 to vector<16xf32>
        %mul3A_284 = arith.mulf %get3A_281, %mul3A_283 : vector<16xf32>
        %swap3A_285 = arith.constant 0 : i32
        %swap3A_286 = arith.constant 0 : i32
        %swap3A_287 = tpu.memref_slice %arg6[%scan3A_157, %swap3A_285, %swap3A_286] : memref<4x128x64xf32, #tpu.memory_space<vmem>> -> memref<1x128x64xf32, #tpu.memory_space<vmem>>
        %swap3A_288 = tpu.memref_squeeze %swap3A_287 : memref<1x128x64xf32, #tpu.memory_space<vmem>> -> memref<128x64xf32, #tpu.memory_space<vmem>>
        %swap3A_289 = arith.index_cast %scan3A_214 : i32 to index
        %swap3A_290 = arith.constant 48 : index
        %swap3A_291 = tpu.vector_load %swap3A_288[%swap3A_289, %swap3A_290] {strides = array<i32>} : memref<128x64xf32, #tpu.memory_space<vmem>>, vector<1x16xf32>,
        %swap3A_292 = vector.shape_cast %swap3A_291 : vector<1x16xf32> to vector<16xf32>
        %swap3A_293 = vector.shape_cast %mul3A_284 : vector<16xf32> to vector<1x16xf32>
        tpu.vector_store %swap3A_288[%swap3A_289, %swap3A_290], %swap3A_293 {strides = array<i32>} : memref<128x64xf32, #tpu.memory_space<vmem>>, vector<1x16xf32>,
        %scan3A_294 = arith.constant 0 : i32
        scf.yield %scan3A_294 : i32
      }
      %scan3A_164 = arith.constant 128 : i32
      %add3A_165 = arith.addi %mul3A_2, %add3A_142 : i32
      %mul3A_166 = arith.constant 128 : i32
      %mul3A_167 = arith.muli %add3A_165, %mul3A_166 : i32
      %run_scoped3A_168 = arith.constant 2 : i32
      "tpu.region"() ({
        %run_scoped3A_214 = tpu.sem_alloc : memref<!tpu.dma_semaphore, #tpu.memory_space<semaphore_mem>>
        %dma_start3A_215 = arith.constant 0 : i32
        %dma_start3A_216 = arith.constant 0 : i32
        %dma_start3A_217 = tpu.memref_slice %arg6[%run_scoped3A_168, %dma_start3A_215, %dma_start3A_216] : memref<4x128x64xf32, #tpu.memory_space<vmem>> -> memref<1x128x64xf32, #tpu.memory_space<vmem>>
        %dma_start3A_218 = tpu.memref_squeeze %dma_start3A_217 : memref<1x128x64xf32, #tpu.memory_space<vmem>> -> memref<128x64xf32, #tpu.memory_space<vmem>>
        %dma_start3A_219 = arith.constant 0 : i32
        %dma_start3A_220 = tpu.memref_slice %arg4[%mul3A_167, %dma_start3A_219] : memref<327680x64xf32, #tpu.memory_space<hbm>> -> memref<128x64xf32, #tpu.memory_space<hbm>>
        %dma_start3A_221 = arith.constant 0 : i32
        %dma_start3A_222 = tpu.memref_slice %arg4[%mul3A_167, %dma_start3A_221] : memref<327680x64xf32, #tpu.memory_space<hbm>> -> memref<128x64xf32, #tpu.memory_space<hbm>>
        %dma_start3A_223 = arith.constant 0 : i32
        %dma_start3A_224 = arith.constant 0 : i32
        %dma_start3A_225 = tpu.memref_slice %arg6[%run_scoped3A_168, %dma_start3A_223, %dma_start3A_224] : memref<4x128x64xf32, #tpu.memory_space<vmem>> -> memref<1x128x64xf32, #tpu.memory_space<vmem>>
        %dma_start3A_226 = tpu.memref_squeeze %dma_start3A_225 : memref<1x128x64xf32, #tpu.memory_space<vmem>> -> memref<128x64xf32, #tpu.memory_space<vmem>>
        tpu.enqueue_dma source(%dma_start3A_226 : memref<128x64xf32, #tpu.memory_space<vmem>>) target(%dma_start3A_222 : memref<128x64xf32, #tpu.memory_space<hbm>>) target_semaphore(%run_scoped3A_214 : memref<!tpu.dma_semaphore, #tpu.memory_space<semaphore_mem>>)
        %dma_wait3A_227 = arith.constant 0 : i32
        %dma_wait3A_228 = arith.constant 0 : i32
        %dma_wait3A_229 = tpu.memref_slice %arg6[%run_scoped3A_168, %dma_wait3A_227, %dma_wait3A_228] : memref<4x128x64xf32, #tpu.memory_space<vmem>> -> memref<1x128x64xf32, #tpu.memory_space<vmem>>
        %dma_wait3A_230 = tpu.memref_squeeze %dma_wait3A_229 : memref<1x128x64xf32, #tpu.memory_space<vmem>> -> memref<128x64xf32, #tpu.memory_space<vmem>>
        %dma_wait3A_231 = arith.constant 0 : i32
        %dma_wait3A_232 = tpu.memref_slice %arg4[%mul3A_167, %dma_wait3A_231] : memref<327680x64xf32, #tpu.memory_space<hbm>> -> memref<128x64xf32, #tpu.memory_space<hbm>>
        %dma_wait3A_233 = arith.constant 0 : i32
        %dma_wait3A_234 = tpu.memref_slice %arg4[%mul3A_167, %dma_wait3A_233] : memref<327680x64xf32, #tpu.memory_space<hbm>> -> memref<128x64xf32, #tpu.memory_space<hbm>>
        %dma_wait3A_235 = arith.constant 0 : i32
        %dma_wait3A_236 = arith.constant 0 : i32
        %dma_wait3A_237 = tpu.memref_slice %arg6[%run_scoped3A_168, %dma_wait3A_235, %dma_wait3A_236] : memref<4x128x64xf32, #tpu.memory_space<vmem>> -> memref<1x128x64xf32, #tpu.memory_space<vmem>>
        %dma_wait3A_238 = tpu.memref_squeeze %dma_wait3A_237 : memref<1x128x64xf32, #tpu.memory_space<vmem>> -> memref<128x64xf32, #tpu.memory_space<vmem>>
        tpu.wait_dma2 semaphore(%run_scoped3A_214 : memref<!tpu.dma_semaphore, #tpu.memory_space<semaphore_mem>>) src(%dma_wait3A_238 : memref<128x64xf32, #tpu.memory_space<vmem>>) dst(%dma_wait3A_234 : memref<128x64xf32, #tpu.memory_space<hbm>>)
        tpu.yield
      }) : () -> ()
      %add3A_169 = arith.constant 4 : i32
      %add3A_170 = arith.addi %add3A_142, %add3A_169 : i32
      %lt3A_171 = arith.constant 80 : i32
      %lt3A_172 = arith.cmpi slt, %add3A_170, %lt3A_171 : i32
      %convert_element_type3A_173 = arith.extui %lt3A_172 : i1 to i32
      %cond3A_174 = arith.constant 0 : i32
      %cond3A_175 = arith.cmpi ne, %convert_element_type3A_173, %cond3A_174 : i32
      scf.if %cond3A_175 {
        %dma_start3A_214 = arith.constant 2 : i32
        %dma_start3A_215 = arith.constant 2 : i32
        %dma_start3A_216 = arith.constant 0 : i32
        %dma_start3A_217 = arith.constant 0 : i32
        %dma_start3A_218 = tpu.memref_slice %arg6[%dma_start3A_214, %dma_start3A_216, %dma_start3A_217] : memref<4x128x64xf32, #tpu.memory_space<vmem>> -> memref<1x128x64xf32, #tpu.memory_space<vmem>>
        %dma_start3A_219 = tpu.memref_squeeze %dma_start3A_218 : memref<1x128x64xf32, #tpu.memory_space<vmem>> -> memref<128x64xf32, #tpu.memory_space<vmem>>
        %dma_start3A_220 = arith.constant 0 : i32
        %dma_start3A_221 = tpu.memref_slice %arg5[%add3A_170, %dma_start3A_220] : memref<80x128xi32, #tpu.memory_space<vmem>> -> memref<1x128xi32, #tpu.memory_space<vmem>>
        %dma_start3A_222 = tpu.memref_squeeze %dma_start3A_221 : memref<1x128xi32, #tpu.memory_space<vmem>> -> memref<128xi32, #tpu.memory_space<vmem>>
        %dma_start3A_223 = arith.constant 0 : i32
        %dma_start3A_224 = arith.constant 0 : i32
        %dma_start3A_225 = tpu.memref_slice %arg3[%dma_start3A_223, %dma_start3A_224] : memref<1000000x64xf32, #tpu.memory_space<hbm>> -> memref<1000000x64xf32, #tpu.memory_space<hbm>>
        %dma_start3A_226 = tpu.memref_slice %arg7[%dma_start3A_215] : memref<4x!tpu.dma_semaphore, #tpu.memory_space<semaphore_mem>> -> memref<1x!tpu.dma_semaphore, #tpu.memory_space<semaphore_mem>>
        %dma_start3A_227 = tpu.memref_squeeze %dma_start3A_226 : memref<1x!tpu.dma_semaphore, #tpu.memory_space<semaphore_mem>> -> memref<!tpu.dma_semaphore, #tpu.memory_space<semaphore_mem>>
        tpu.enqueue_indirect_dma source(%dma_start3A_225 : memref<1000000x64xf32, #tpu.memory_space<hbm>>) target(%dma_start3A_219 : memref<128x64xf32, #tpu.memory_space<vmem>>) offsets(%dma_start3A_222 : memref<128xi32, #tpu.memory_space<vmem>>) semaphore(%dma_start3A_227 : memref<!tpu.dma_semaphore, #tpu.memory_space<semaphore_mem>>)
      } else {
      }
      %mul3A_176 = arith.constant 4 : i32
      %mul3A_177 = arith.muli %scan3A_68, %mul3A_176 : i32
      %add3A_178 = arith.constant 3 : i32
      %add3A_179 = arith.addi %mul3A_177, %add3A_178 : i32
      %dma_wait3A_180 = arith.constant 3 : i32
      %dma_wait3A_181 = arith.constant 3 : i32
      %dma_wait3A_182 = arith.constant 0 : i32
      %dma_wait3A_183 = arith.constant 0 : i32
      %dma_wait3A_184 = tpu.memref_slice %arg6[%dma_wait3A_180, %dma_wait3A_182, %dma_wait3A_183] : memref<4x128x64xf32, #tpu.memory_space<vmem>> -> memref<1x128x64xf32, #tpu.memory_space<vmem>>
      %dma_wait3A_185 = tpu.memref_squeeze %dma_wait3A_184 : memref<1x128x64xf32, #tpu.memory_space<vmem>> -> memref<128x64xf32, #tpu.memory_space<vmem>>
      %dma_wait3A_186 = arith.constant 0 : i32
      %dma_wait3A_187 = tpu.memref_slice %arg5[%add3A_179, %dma_wait3A_186] : memref<80x128xi32, #tpu.memory_space<vmem>> -> memref<1x128xi32, #tpu.memory_space<vmem>>
      %dma_wait3A_188 = tpu.memref_squeeze %dma_wait3A_187 : memref<1x128xi32, #tpu.memory_space<vmem>> -> memref<128xi32, #tpu.memory_space<vmem>>
      %dma_wait3A_189 = arith.constant 0 : i32
      %dma_wait3A_190 = arith.constant 0 : i32
      %dma_wait3A_191 = tpu.memref_slice %arg3[%dma_wait3A_189, %dma_wait3A_190] : memref<1000000x64xf32, #tpu.memory_space<hbm>> -> memref<1000000x64xf32, #tpu.memory_space<hbm>>
      %dma_wait3A_192 = tpu.memref_slice %arg7[%dma_wait3A_181] : memref<4x!tpu.dma_semaphore, #tpu.memory_space<semaphore_mem>> -> memref<1x!tpu.dma_semaphore, #tpu.memory_space<semaphore_mem>>
      %dma_wait3A_193 = tpu.memref_squeeze %dma_wait3A_192 : memref<1x!tpu.dma_semaphore, #tpu.memory_space<semaphore_mem>> -> memref<!tpu.dma_semaphore, #tpu.memory_space<semaphore_mem>>
      tpu.wait_indirect_dma semaphore(%dma_wait3A_193 : memref<!tpu.dma_semaphore, #tpu.memory_space<semaphore_mem>>) src(%dma_wait3A_191 : memref<1000000x64xf32, #tpu.memory_space<hbm>>) dst(%dma_wait3A_185 : memref<128x64xf32, #tpu.memory_space<vmem>>)
      %scan3A_194 = arith.constant 3 : i32
      %scan3A_195 = arith.constant 0 : i32
      %scan3A_196 = arith.constant 0 : i32
      %scan3A_197 = arith.constant 128 : i32
      %scan3A_198 = arith.addi %scan3A_196, %scan3A_197 : i32
      %scan3A_199 = arith.constant 1 : i32
      %scan3A_200 = scf.for %scan3A_214 = %scan3A_196 to %scan3A_198 step %scan3A_199 iter_args(%scan3A_215 = %scan3A_195) -> (i32)  : i32 {
        %get3A = arith.constant 0 : i32
        %get3A_216 = arith.constant 0 : i32
        %get3A_217 = tpu.memref_slice %arg6[%scan3A_194, %get3A, %get3A_216] : memref<4x128x64xf32, #tpu.memory_space<vmem>> -> memref<1x128x64xf32, #tpu.memory_space<vmem>>
        %get3A_218 = tpu.memref_squeeze %get3A_217 : memref<1x128x64xf32, #tpu.memory_space<vmem>> -> memref<128x64xf32, #tpu.memory_space<vmem>>
        %get3A_219 = arith.index_cast %scan3A_214 : i32 to index
        %get3A_220 = arith.constant 0 : index
        %get3A_221 = tpu.vector_load %get3A_218[%get3A_219, %get3A_220] {strides = array<i32>} : memref<128x64xf32, #tpu.memory_space<vmem>>, vector<1x16xf32>,
        %get3A_222 = vector.shape_cast %get3A_221 : vector<1x16xf32> to vector<16xf32>
        %mul3A_223 = arith.constant 8.000000e+00 : f32
        %mul3A_224 = vector.broadcast %mul3A_223 : f32 to vector<16xf32>
        %mul3A_225 = arith.mulf %get3A_222, %mul3A_224 : vector<16xf32>
        %swap3A = arith.constant 0 : i32
        %swap3A_226 = arith.constant 0 : i32
        %swap3A_227 = tpu.memref_slice %arg6[%scan3A_194, %swap3A, %swap3A_226] : memref<4x128x64xf32, #tpu.memory_space<vmem>> -> memref<1x128x64xf32, #tpu.memory_space<vmem>>
        %swap3A_228 = tpu.memref_squeeze %swap3A_227 : memref<1x128x64xf32, #tpu.memory_space<vmem>> -> memref<128x64xf32, #tpu.memory_space<vmem>>
        %swap3A_229 = arith.index_cast %scan3A_214 : i32 to index
        %swap3A_230 = arith.constant 0 : index
        %swap3A_231 = tpu.vector_load %swap3A_228[%swap3A_229, %swap3A_230] {strides = array<i32>} : memref<128x64xf32, #tpu.memory_space<vmem>>, vector<1x16xf32>,
        %swap3A_232 = vector.shape_cast %swap3A_231 : vector<1x16xf32> to vector<16xf32>
        %swap3A_233 = vector.shape_cast %mul3A_225 : vector<16xf32> to vector<1x16xf32>
        tpu.vector_store %swap3A_228[%swap3A_229, %swap3A_230], %swap3A_233 {strides = array<i32>} : memref<128x64xf32, #tpu.memory_space<vmem>>, vector<1x16xf32>,
        %get3A_234 = arith.constant 0 : i32
        %get3A_235 = arith.constant 0 : i32
        %get3A_236 = tpu.memref_slice %arg6[%scan3A_194, %get3A_234, %get3A_235] : memref<4x128x64xf32, #tpu.memory_space<vmem>> -> memref<1x128x64xf32, #tpu.memory_space<vmem>>
        %get3A_237 = tpu.memref_squeeze %get3A_236 : memref<1x128x64xf32, #tpu.memory_space<vmem>> -> memref<128x64xf32, #tpu.memory_space<vmem>>
        %get3A_238 = arith.index_cast %scan3A_214 : i32 to index
        %get3A_239 = arith.constant 16 : index
        %get3A_240 = tpu.vector_load %get3A_237[%get3A_238, %get3A_239] {strides = array<i32>} : memref<128x64xf32, #tpu.memory_space<vmem>>, vector<1x16xf32>,
        %get3A_241 = vector.shape_cast %get3A_240 : vector<1x16xf32> to vector<16xf32>
        %mul3A_242 = arith.constant 8.000000e+00 : f32
        %mul3A_243 = vector.broadcast %mul3A_242 : f32 to vector<16xf32>
        %mul3A_244 = arith.mulf %get3A_241, %mul3A_243 : vector<16xf32>
        %swap3A_245 = arith.constant 0 : i32
        %swap3A_246 = arith.constant 0 : i32
        %swap3A_247 = tpu.memref_slice %arg6[%scan3A_194, %swap3A_245, %swap3A_246] : memref<4x128x64xf32, #tpu.memory_space<vmem>> -> memref<1x128x64xf32, #tpu.memory_space<vmem>>
        %swap3A_248 = tpu.memref_squeeze %swap3A_247 : memref<1x128x64xf32, #tpu.memory_space<vmem>> -> memref<128x64xf32, #tpu.memory_space<vmem>>
        %swap3A_249 = arith.index_cast %scan3A_214 : i32 to index
        %swap3A_250 = arith.constant 16 : index
        %swap3A_251 = tpu.vector_load %swap3A_248[%swap3A_249, %swap3A_250] {strides = array<i32>} : memref<128x64xf32, #tpu.memory_space<vmem>>, vector<1x16xf32>,
        %swap3A_252 = vector.shape_cast %swap3A_251 : vector<1x16xf32> to vector<16xf32>
        %swap3A_253 = vector.shape_cast %mul3A_244 : vector<16xf32> to vector<1x16xf32>
        tpu.vector_store %swap3A_248[%swap3A_249, %swap3A_250], %swap3A_253 {strides = array<i32>} : memref<128x64xf32, #tpu.memory_space<vmem>>, vector<1x16xf32>,
        %get3A_254 = arith.constant 0 : i32
        %get3A_255 = arith.constant 0 : i32
        %get3A_256 = tpu.memref_slice %arg6[%scan3A_194, %get3A_254, %get3A_255] : memref<4x128x64xf32, #tpu.memory_space<vmem>> -> memref<1x128x64xf32, #tpu.memory_space<vmem>>
        %get3A_257 = tpu.memref_squeeze %get3A_256 : memref<1x128x64xf32, #tpu.memory_space<vmem>> -> memref<128x64xf32, #tpu.memory_space<vmem>>
        %get3A_258 = arith.index_cast %scan3A_214 : i32 to index
        %get3A_259 = arith.constant 32 : index
        %get3A_260 = tpu.vector_load %get3A_257[%get3A_258, %get3A_259] {strides = array<i32>} : memref<128x64xf32, #tpu.memory_space<vmem>>, vector<1x16xf32>,
        %get3A_261 = vector.shape_cast %get3A_260 : vector<1x16xf32> to vector<16xf32>
        %mul3A_262 = arith.constant 8.000000e+00 : f32
        %mul3A_263 = vector.broadcast %mul3A_262 : f32 to vector<16xf32>
        %mul3A_264 = arith.mulf %get3A_261, %mul3A_263 : vector<16xf32>
        %swap3A_265 = arith.constant 0 : i32
        %swap3A_266 = arith.constant 0 : i32
        %swap3A_267 = tpu.memref_slice %arg6[%scan3A_194, %swap3A_265, %swap3A_266] : memref<4x128x64xf32, #tpu.memory_space<vmem>> -> memref<1x128x64xf32, #tpu.memory_space<vmem>>
        %swap3A_268 = tpu.memref_squeeze %swap3A_267 : memref<1x128x64xf32, #tpu.memory_space<vmem>> -> memref<128x64xf32, #tpu.memory_space<vmem>>
        %swap3A_269 = arith.index_cast %scan3A_214 : i32 to index
        %swap3A_270 = arith.constant 32 : index
        %swap3A_271 = tpu.vector_load %swap3A_268[%swap3A_269, %swap3A_270] {strides = array<i32>} : memref<128x64xf32, #tpu.memory_space<vmem>>, vector<1x16xf32>,
        %swap3A_272 = vector.shape_cast %swap3A_271 : vector<1x16xf32> to vector<16xf32>
        %swap3A_273 = vector.shape_cast %mul3A_264 : vector<16xf32> to vector<1x16xf32>
        tpu.vector_store %swap3A_268[%swap3A_269, %swap3A_270], %swap3A_273 {strides = array<i32>} : memref<128x64xf32, #tpu.memory_space<vmem>>, vector<1x16xf32>,
        %get3A_274 = arith.constant 0 : i32
        %get3A_275 = arith.constant 0 : i32
        %get3A_276 = tpu.memref_slice %arg6[%scan3A_194, %get3A_274, %get3A_275] : memref<4x128x64xf32, #tpu.memory_space<vmem>> -> memref<1x128x64xf32, #tpu.memory_space<vmem>>
        %get3A_277 = tpu.memref_squeeze %get3A_276 : memref<1x128x64xf32, #tpu.memory_space<vmem>> -> memref<128x64xf32, #tpu.memory_space<vmem>>
        %get3A_278 = arith.index_cast %scan3A_214 : i32 to index
        %get3A_279 = arith.constant 48 : index
        %get3A_280 = tpu.vector_load %get3A_277[%get3A_278, %get3A_279] {strides = array<i32>} : memref<128x64xf32, #tpu.memory_space<vmem>>, vector<1x16xf32>,
        %get3A_281 = vector.shape_cast %get3A_280 : vector<1x16xf32> to vector<16xf32>
        %mul3A_282 = arith.constant 8.000000e+00 : f32
        %mul3A_283 = vector.broadcast %mul3A_282 : f32 to vector<16xf32>
        %mul3A_284 = arith.mulf %get3A_281, %mul3A_283 : vector<16xf32>
        %swap3A_285 = arith.constant 0 : i32
        %swap3A_286 = arith.constant 0 : i32
        %swap3A_287 = tpu.memref_slice %arg6[%scan3A_194, %swap3A_285, %swap3A_286] : memref<4x128x64xf32, #tpu.memory_space<vmem>> -> memref<1x128x64xf32, #tpu.memory_space<vmem>>
        %swap3A_288 = tpu.memref_squeeze %swap3A_287 : memref<1x128x64xf32, #tpu.memory_space<vmem>> -> memref<128x64xf32, #tpu.memory_space<vmem>>
        %swap3A_289 = arith.index_cast %scan3A_214 : i32 to index
        %swap3A_290 = arith.constant 48 : index
        %swap3A_291 = tpu.vector_load %swap3A_288[%swap3A_289, %swap3A_290] {strides = array<i32>} : memref<128x64xf32, #tpu.memory_space<vmem>>, vector<1x16xf32>,
        %swap3A_292 = vector.shape_cast %swap3A_291 : vector<1x16xf32> to vector<16xf32>
        %swap3A_293 = vector.shape_cast %mul3A_284 : vector<16xf32> to vector<1x16xf32>
        tpu.vector_store %swap3A_288[%swap3A_289, %swap3A_290], %swap3A_293 {strides = array<i32>} : memref<128x64xf32, #tpu.memory_space<vmem>>, vector<1x16xf32>,
        %scan3A_294 = arith.constant 0 : i32
        scf.yield %scan3A_294 : i32
      }
      %scan3A_201 = arith.constant 128 : i32
      %add3A_202 = arith.addi %mul3A_2, %add3A_179 : i32
      %mul3A_203 = arith.constant 128 : i32
      %mul3A_204 = arith.muli %add3A_202, %mul3A_203 : i32
      %run_scoped3A_205 = arith.constant 3 : i32
      "tpu.region"() ({
        %run_scoped3A_214 = tpu.sem_alloc : memref<!tpu.dma_semaphore, #tpu.memory_space<semaphore_mem>>
        %dma_start3A_215 = arith.constant 0 : i32
        %dma_start3A_216 = arith.constant 0 : i32
        %dma_start3A_217 = tpu.memref_slice %arg6[%run_scoped3A_205, %dma_start3A_215, %dma_start3A_216] : memref<4x128x64xf32, #tpu.memory_space<vmem>> -> memref<1x128x64xf32, #tpu.memory_space<vmem>>
        %dma_start3A_218 = tpu.memref_squeeze %dma_start3A_217 : memref<1x128x64xf32, #tpu.memory_space<vmem>> -> memref<128x64xf32, #tpu.memory_space<vmem>>
        %dma_start3A_219 = arith.constant 0 : i32
        %dma_start3A_220 = tpu.memref_slice %arg4[%mul3A_204, %dma_start3A_219] : memref<327680x64xf32, #tpu.memory_space<hbm>> -> memref<128x64xf32, #tpu.memory_space<hbm>>
        %dma_start3A_221 = arith.constant 0 : i32
        %dma_start3A_222 = tpu.memref_slice %arg4[%mul3A_204, %dma_start3A_221] : memref<327680x64xf32, #tpu.memory_space<hbm>> -> memref<128x64xf32, #tpu.memory_space<hbm>>
        %dma_start3A_223 = arith.constant 0 : i32
        %dma_start3A_224 = arith.constant 0 : i32
        %dma_start3A_225 = tpu.memref_slice %arg6[%run_scoped3A_205, %dma_start3A_223, %dma_start3A_224] : memref<4x128x64xf32, #tpu.memory_space<vmem>> -> memref<1x128x64xf32, #tpu.memory_space<vmem>>
        %dma_start3A_226 = tpu.memref_squeeze %dma_start3A_225 : memref<1x128x64xf32, #tpu.memory_space<vmem>> -> memref<128x64xf32, #tpu.memory_space<vmem>>
        tpu.enqueue_dma source(%dma_start3A_226 : memref<128x64xf32, #tpu.memory_space<vmem>>) target(%dma_start3A_222 : memref<128x64xf32, #tpu.memory_space<hbm>>) target_semaphore(%run_scoped3A_214 : memref<!tpu.dma_semaphore, #tpu.memory_space<semaphore_mem>>)
        %dma_wait3A_227 = arith.constant 0 : i32
        %dma_wait3A_228 = arith.constant 0 : i32
        %dma_wait3A_229 = tpu.memref_slice %arg6[%run_scoped3A_205, %dma_wait3A_227, %dma_wait3A_228] : memref<4x128x64xf32, #tpu.memory_space<vmem>> -> memref<1x128x64xf32, #tpu.memory_space<vmem>>
        %dma_wait3A_230 = tpu.memref_squeeze %dma_wait3A_229 : memref<1x128x64xf32, #tpu.memory_space<vmem>> -> memref<128x64xf32, #tpu.memory_space<vmem>>
        %dma_wait3A_231 = arith.constant 0 : i32
        %dma_wait3A_232 = tpu.memref_slice %arg4[%mul3A_204, %dma_wait3A_231] : memref<327680x64xf32, #tpu.memory_space<hbm>> -> memref<128x64xf32, #tpu.memory_space<hbm>>
        %dma_wait3A_233 = arith.constant 0 : i32
        %dma_wait3A_234 = tpu.memref_slice %arg4[%mul3A_204, %dma_wait3A_233] : memref<327680x64xf32, #tpu.memory_space<hbm>> -> memref<128x64xf32, #tpu.memory_space<hbm>>
        %dma_wait3A_235 = arith.constant 0 : i32
        %dma_wait3A_236 = arith.constant 0 : i32
        %dma_wait3A_237 = tpu.memref_slice %arg6[%run_scoped3A_205, %dma_wait3A_235, %dma_wait3A_236] : memref<4x128x64xf32, #tpu.memory_space<vmem>> -> memref<1x128x64xf32, #tpu.memory_space<vmem>>
        %dma_wait3A_238 = tpu.memref_squeeze %dma_wait3A_237 : memref<1x128x64xf32, #tpu.memory_space<vmem>> -> memref<128x64xf32, #tpu.memory_space<vmem>>
        tpu.wait_dma2 semaphore(%run_scoped3A_214 : memref<!tpu.dma_semaphore, #tpu.memory_space<semaphore_mem>>) src(%dma_wait3A_238 : memref<128x64xf32, #tpu.memory_space<vmem>>) dst(%dma_wait3A_234 : memref<128x64xf32, #tpu.memory_space<hbm>>)
        tpu.yield
      }) : () -> ()
      %add3A_206 = arith.constant 4 : i32
      %add3A_207 = arith.addi %add3A_179, %add3A_206 : i32
      %lt3A_208 = arith.constant 80 : i32
      %lt3A_209 = arith.cmpi slt, %add3A_207, %lt3A_208 : i32
      %convert_element_type3A_210 = arith.extui %lt3A_209 : i1 to i32
      %cond3A_211 = arith.constant 0 : i32
      %cond3A_212 = arith.cmpi ne, %convert_element_type3A_210, %cond3A_211 : i32
      scf.if %cond3A_212 {
        %dma_start3A_214 = arith.constant 3 : i32
        %dma_start3A_215 = arith.constant 3 : i32
        %dma_start3A_216 = arith.constant 0 : i32
        %dma_start3A_217 = arith.constant 0 : i32
        %dma_start3A_218 = tpu.memref_slice %arg6[%dma_start3A_214, %dma_start3A_216, %dma_start3A_217] : memref<4x128x64xf32, #tpu.memory_space<vmem>> -> memref<1x128x64xf32, #tpu.memory_space<vmem>>
        %dma_start3A_219 = tpu.memref_squeeze %dma_start3A_218 : memref<1x128x64xf32, #tpu.memory_space<vmem>> -> memref<128x64xf32, #tpu.memory_space<vmem>>
        %dma_start3A_220 = arith.constant 0 : i32
        %dma_start3A_221 = tpu.memref_slice %arg5[%add3A_207, %dma_start3A_220] : memref<80x128xi32, #tpu.memory_space<vmem>> -> memref<1x128xi32, #tpu.memory_space<vmem>>
        %dma_start3A_222 = tpu.memref_squeeze %dma_start3A_221 : memref<1x128xi32, #tpu.memory_space<vmem>> -> memref<128xi32, #tpu.memory_space<vmem>>
        %dma_start3A_223 = arith.constant 0 : i32
        %dma_start3A_224 = arith.constant 0 : i32
        %dma_start3A_225 = tpu.memref_slice %arg3[%dma_start3A_223, %dma_start3A_224] : memref<1000000x64xf32, #tpu.memory_space<hbm>> -> memref<1000000x64xf32, #tpu.memory_space<hbm>>
        %dma_start3A_226 = tpu.memref_slice %arg7[%dma_start3A_215] : memref<4x!tpu.dma_semaphore, #tpu.memory_space<semaphore_mem>> -> memref<1x!tpu.dma_semaphore, #tpu.memory_space<semaphore_mem>>
        %dma_start3A_227 = tpu.memref_squeeze %dma_start3A_226 : memref<1x!tpu.dma_semaphore, #tpu.memory_space<semaphore_mem>> -> memref<!tpu.dma_semaphore, #tpu.memory_space<semaphore_mem>>
        tpu.enqueue_indirect_dma source(%dma_start3A_225 : memref<1000000x64xf32, #tpu.memory_space<hbm>>) target(%dma_start3A_219 : memref<128x64xf32, #tpu.memory_space<vmem>>) offsets(%dma_start3A_222 : memref<128xi32, #tpu.memory_space<vmem>>) semaphore(%dma_start3A_227 : memref<!tpu.dma_semaphore, #tpu.memory_space<semaphore_mem>>)
      } else {
      }
      %scan3A_213 = arith.constant 0 : i32
      scf.yield %scan3A_213 : i32
    }
    %scan3A_67 = arith.constant 20 : i32
    return
  }
}

</mosaic_0001>

<sc_bundles>
// kernel: kernel.3.cloned.1.call-start
scs
__scs_entry_jumppad:
0x0: {  	(pc) =	sbr.rel $0x88, $3  }
0x1: {  	(tag) =	ssettag $0x0;
	lr =	simm.s32 $0x1  }
0x2: {  	[smem:$0x3F9F] =	sst lr;
	_ =	strace $0xD0000000  }
0x3: {  	_ = 	snop  }
0x4: {  	_ = 	snop  }
0x5: {  	_ = 	snop  }
0x6: {  	_ = 	snop  }
0x7: {  	_ = 	snop  }
__scs_overlays_trampoline_lowered:
0x8: {  	[smem:$0x3FAE] =	sst s0  }
0x9: {  	[smem:$0x3FAF] =	sst s1  }
0xa: {  	[smem:$0x3FB0] =	sst s2  }
0xb: {  	[smem:$0x3FB1] =	sst s3  }
0xc: {  	[smem:$0x3FB2] =	sst s4  }
0xd: {  	[smem:$0x3FB3] =	sst s5  }
0xe: {  	[smem:$0x3FB4] =	sst s6  }
0xf: {  	[smem:$0x3FB5] =	sst s7  }
0x10: {  	[smem:$0x3FB6] =	sst s8  }
0x11: {  	[smem:$0x3FB7] =	sst s9;
	s0 =	simm.s32 @!p0 $0x0  }
0x12: {  	s1 =	sld [smem:$0x3F9D];
	s0 =	simm.s32 @p0 $0x1  }
0x13: {  	[smem:$0x3FB8] =	sst s0;
	s0 =	simm.s32 @!p1 $0x0  }
0x14: {  	s2 =	sld [smem:$0x3F9C];
	s0 =	simm.s32 @p1 $0x1  }
0x15: {  	[smem:$0x3FB9] =	sst s0;
	s0 =	simm.s32 @!p2 $0x0  }
0x16: {  	s3 =	sld [smem:$0x3FDB];
	s0 =	simm.s32 @p2 $0x1  }
0x17: {  	s4 =	simm.s32 $0x1BF5;
	[smem:$0x3FBB] =	sst s0  }
0x18: {  	s0 =	sld [smem:$0x3F9E];
	_ =	swait.ge [sflag:s4], $0x0  }
0x19: {  	s7 =	sld [smem:$0x3F9F]  }
0x1a: {  	s8 =	sadd.s32 $0xFFFFE003, lr  }
0x1b: {  	s9 =	sadd.s32 $0xFFFFFEF7, lr;
	s5 =	simm.s32 $0xFFFFFFFF;
	p2 =	slt.u32 s8, $0xFFFFF086  }
0x1c: {  	p1 =	slt.u32 s9, $0xF7A;
	s5 =	simm.s32 @!p2 $0x0  }
0x1d: {  	s5 =	simm.s32 @p1 $0x1;
	p0 =	seq.s32 s7, s2  }
0x1e: {  	s7 =	smul.u32 @!p0 $0xF7A, s2;
	p2 =	seq.s32 @!p0 s5, $0x0  }
0x1f: {  	s9 =	smul.u32 $0xF7A, s1;
	s8 =	simm.s32 @!p0 $0x1BF5;
	p2 =	por !p2, p0  }
0x20: {  	[sflag:s8] =	ssyncset.s32 @!p0 $0xFFFFF086;
	s6 =	sadd.s32 @!p0 s3, s7;
	s7 =	simm.s32 @!p0 $0x108  }
0x21: {  	s3 =	sadd.s32 s3, s9;
	s6 =	sadd.s32 @!p0 $0x88, s6;
	s7 =	simm.s32 @p2 $0x1082  }
0x22: {  	[simem:s7], [sflag:s8] =	dma.local @!p0 [hbm:s6], $0xF7A  }
0x23: {  	s9 =	sor.u32 $0xD0000000, s2;
	s6 =	simm.s32 $0x108;
	_ =	swait.ge @!p0 [sflag:s8], $0x0  }
0x24: {  	s3 =	sadd.s32 $0x88, s3;
	s6 =	simm.s32 @!p1 $0x1082;
	[sflag:s4] =	ssyncset.s32 $0xFFFFF086  }
0x25: {  	[simem:s6], [sflag:s4] =	dma.local [hbm:s3], $0xF7A  }
0x26: {  	[smem:$0x3F9F] =	sst s1;
	(tag) =	ssettag s2;
	_ =	strace s9  }
0x27: {  	s1 =	sld [smem:$0x3FAF]  }
0x28: {  	s2 =	sld [smem:$0x3FB0]  }
0x29: {  	s4 =	sld [smem:$0x3FB2]  }
0x2a: {  	p0 =	seq.s32 s5, $0x0;
	s5 =	sld [smem:$0x3FB3]  }
0x2b: {  	s6 =	sld [smem:$0x3FB4]  }
0x2c: {  	s7 =	sld [smem:$0x3FB5]  }
0x2d: {  	s3 =	simm.s32 $0x108;
	s8 =	sld [smem:$0x3FB6]  }
0x2e: {  	s3 =	simm.s32 @!p0 $0x1082;
	s9 =	sld [smem:$0x3FB7]  }
0x2f: {  	lr =	sadd.s32 s0, s3;
	s0 =	sld [smem:$0x3FAE]  }
0x30: {  	s3 =	sld [smem:$0x3FB1]  }
0x31: {  	[smem:$0x3FBA] =	sst s10  }
0x32: {  	s10 =	sld [smem:$0x3FB8];
	_ =	sdelay $0x3  }
0x33: {  	p0 =	seq.s32 s10, $0x1;
	s10 =	sld [smem:$0x3FBA];
	_ =	sdelay $0x3  }
0x34: {  	[smem:$0x3FBA] =	sst s10  }
0x35: {  	s10 =	sld [smem:$0x3FB9];
	_ =	sdelay $0x3  }
0x36: {  	p1 =	seq.s32 s10, $0x1;
	s10 =	sld [smem:$0x3FBA];
	_ =	sdelay $0x3  }
0x37: {  	[smem:$0x3FBA] =	sst s10  }
0x38: {  	s10 =	sld [smem:$0x3FBB]  }
0x39: {  	_ = 	snop;
	(pc) =	sbr.ind lr, $3  }
0x3a: {  	_ = 	snop  }
0x3b: {  	_ = 	snop  }
0x3c: {  	p2 =	seq.s32 s10, $0x1;
	s10 =	sld [smem:$0x3FBA]  }
0x3d: {  	_ =	shalt  }
0x3e: {  	_ =	shalt  }
0x3f: {  	_ =	shalt  }
0x40: {  	_ =	shalt  }
0x41: {  	_ =	shalt  }
0x42: {  	_ =	shalt  }
0x43: {  	_ =	shalt  }
0x44: {  	_ =	shalt  }
0x45: {  	_ =	shalt  }
0x46: {  	_ =	shalt  }
0x47: {  	_ =	shalt  }
0x48: {  	_ =	shalt  }
0x49: {  	_ =	shalt  }
0x4a: {  	_ =	shalt  }
0x4b: {  	_ =	shalt  }
0x4c: {  	_ =	shalt  }
0x4d: {  	_ =	shalt  }
0x4e: {  	_ =	shalt  }
0x4f: {  	_ =	shalt  }
0x50: {  	_ =	shalt  }
0x51: {  	_ =	shalt  }
0x52: {  	_ =	shalt  }
0x53: {  	_ =	shalt  }
0x54: {  	_ =	shalt  }
0x55: {  	_ =	shalt  }
0x56: {  	_ =	shalt  }
0x57: {  	_ =	shalt  }
0x58: {  	_ =	shalt  }
0x59: {  	_ =	shalt  }
0x5a: {  	_ =	shalt  }
0x5b: {  	_ =	shalt  }
0x5c: {  	_ =	shalt  }
0x5d: {  	_ =	shalt  }
0x5e: {  	_ =	shalt  }
0x5f: {  	_ =	shalt  }
0x60: {  	_ =	shalt  }
0x61: {  	_ =	shalt  }
0x62: {  	_ =	shalt  }
0x63: {  	_ =	shalt  }
0x64: {  	_ =	shalt  }
0x65: {  	_ =	shalt  }
0x66: {  	_ =	shalt  }
0x67: {  	_ =	shalt  }
0x68: {  	_ =	shalt  }
0x69: {  	_ =	shalt  }
0x6a: {  	_ =	shalt  }
0x6b: {  	_ =	shalt  }
0x6c: {  	_ =	shalt  }
0x6d: {  	_ =	shalt  }
0x6e: {  	_ =	shalt  }
0x6f: {  	_ =	shalt  }
0x70: {  	_ =	shalt  }
0x71: {  	_ =	shalt  }
0x72: {  	_ =	shalt  }
0x73: {  	_ =	shalt  }
0x74: {  	_ =	shalt  }
0x75: {  	_ =	shalt  }
0x76: {  	_ =	shalt  }
0x77: {  	_ =	shalt  }
0x78: {  	_ =	shalt  }
0x79: {  	_ =	shalt  }
0x7a: {  	_ =	shalt  }
0x7b: {  	_ =	shalt  }
0x7c: {  	_ =	shalt  }
0x7d: {  	_ =	shalt  }
0x7e: {  	_ =	shalt  }
0x7f: {  	_ =	shalt  }
0x80: {  	_ =	shalt  }
0x81: {  	_ =	shalt  }
0x82: {  	_ =	shalt  }
0x83: {  	_ =	shalt  }
0x84: {  	_ =	shalt  }
0x85: {  	_ =	shalt  }
0x86: {  	_ =	shalt  }
0x87: {  	_ =	shalt  }
.Lfunc_end0:
.L_simem_size_0:
called_computation.1_lowered:
.L_overlay_start_0:
0x88: {  	s2 =	sld [smem:$0x3FD9]  }
0x89: {  	s3 =	sld [smem:$0x3FFE];
	_ =	sdelay $0x1  }
0x8a: {  	s1 =	srdreg.scid  }
0x8b: {  	s0 =	sand.u32 $0x1, s1  }
0x8c: {  	s17 =	sshll.u32 s0, $0xA;
	s2 =	sadd.s32 s3, s2  }
0x8d: {  	s2 =	sadd.s32 s2, s17  }
0x8e: {  	[smem:$0x3FC6] =	sst s2  }
0x8f: {  	_ = 	snop  }
0x90: {  	s2 =	sld [smem:$0x3FD0];
	(tm) =	ssettm $0x1  }
0x91: {  	s18 =	sld [smem:$0x3FFB];
	_ =	sdelay $0x3  }
0x92: {  	_ =	strace s18  }
0x93: {  	s3 =	sld [smem:$0x3FFC];
	_ =	sdelay $0x3  }
0x94: {  	_ =	strace s3  }
0x95: {  	s3 =	sld [smem:$0x3FFD];
	_ =	sdelay $0x3  }
0x96: {  	_ =	strace s3  }
0x97: {  	_ =	strace $0x8FFFFFFF  }
0x98: {  	s19 =	sld [smem:$0x3FDB];
	_ =	sdelay $0x1  }
0x99: {  	s4 =	simm.s32 $_scs_section_size  }
0x9a: {  	s5 =	simm.s32 $_size__tile_overlayer_lowered;
	s6 =	simm.s32 $_tile_overlayer_lowered  }
0x9b: {  	s22 =	simm.s32 $0x1BFF;
	s21 =	sshll.u32 s6, $0x1;
	s3 =	sadd.s32 s4, s19  }
0x9c: {  	s7 =	simm.s32 $0x0;
	s20 =	sshll.u32 s5, $0x1;
	s5 =	sadd.s32 s21, s3  }
0x9d: {  	[timem:s7], [sflag:s22] =	dma.local [hbm:s5], s20  }
0x9e: {  	_ =	swait.ge [sflag:s22], s20  }
0x9f: {  	s4 =	ssub.s32 $0x0, s20;
	[sflag:s22] =	ssyncset.done $0x0  }
0xa0: {  	[sflag:s22] =	ssyncadd.s32 s4;
	_ =	sdelay $0x1  }
0xa1: {  	s23 =	simm.s32 $0x1B8B  }
0xa2: {  	_ =	swait.ge [sflag:s23], $0x1  }
0xa3: {  	[sflag:s23] =	ssyncset.done $0x0  }
0xa4: {  	s25 =	simm.s32 $0x1B8E;
	s24 =	sld [smem:$0x3FFE];
	[sflag:s23] =	ssyncadd.s32 $0xFFFFFFFF  }
0xa5: {  	s26 =	simm.s32 $execute0_lowered;
	[smem:$0x3FD2] =	sst s25  }
0xa6: {  	s5 =	sshll.u32 s26, $0x1;
	_ =	strace $0x80000046;
	[dreg:$0x1] =	wrdreg $0xFFFFFFFF  }
0xa7: {  	s28 =	simm.s32 $_size_execute0_lowered;
	s3 =	sadd.s32 s3, s5;
	[dreg:$0x0] =	wrdreg $0x0  }
0xa8: {  	s5 =	sshll.u32 s28, $0x1;
	[dreg:$0x2] =	wrdreg s3  }
0xa9: {  	[dreg:$0x3] =	wrdreg s5  }
0xaa: {  	[dreg:$0x4] =	wrdreg $0xC0  }
0xab: {  	_ =	task [dreg:s7], $0x5FFFF  }
0xac: {  	[dreg:$0x1] =	wrdreg $0xFFFFFFFF  }
0xad: {  	[dreg:$0x0] =	wrdreg $0x60  }
0xae: {  	[dreg:$0x2] =	wrdreg s24  }
0xaf: {  	[dreg:$0x3] =	wrdreg s2  }
0xb0: {  	[dreg:$0x4] =	wrdreg $0x9  }
0xb1: {  	_ =	task.clear_ibuf [dreg:s7], $0x5FFFF;
	_ =	strace $0x90000046  }
0xb2: {  	s29 =	simm.s32 $0x9;
	_ =	strace $0x80000048  }
0xb3: {  	_ =	swait.ge [sflag:s29], $0x1  }
0xb4: {  	[sflag:s29] =	ssyncadd.s32 $0xFFFFFFFF  }
0xb5: {  	_ =	strace $0x90000048  }
0xb6: {  	_ =	sfence  }
0xb7: {  	s30 =	sld [smem:$0x0];
	_ =	sdelay $0x2  }
0xb8: {  	s31 =	sshll.u32 s1, $0xD;
	s1 =	sshrl.u32 s1, $0x2  }
0xb9: {  	s3 =	sand.u32 $0x4000, s31;
	s1 =	sadd.s32 s1, s30  }
0xba: {  	s0 =	sor.u32 s3, s0;
	s1 =	sshll.u32 s1, $0x11  }
0xbb: {  	s0 =	sor.u32 s1, s0  }
0xbc: {  	s0 =	sadd.s32 $0x8F2B, s0  }
0xbd: {  	[sflag:s0] =	ssyncadd.remote.s32 $0x1  }
0xbe: {  	_ =	sfence.sel $0xFFFF  }
0xbf: {  	[dreg:$0x0] =	wrdreg $0xFFFFFFFF;
	(pc) =	sbr.abs _section_cstart, $3  }
0xc0: {  	[dreg:$0x1] =	wrdreg $0xFFFFFFFF  }
0xc1: {  	_ =	task.clear_ibuf [dreg:s7], $0x2FFFF;
	_ =	strace $0x9FFFFFFF  }
0xc2: {  	(tm) =	ssettm $0x7FFFFFFF  }
0xc3: {  	_ =	shalt  }
tec
execute0_lowered:
.L_overlay_start_1:
0x0: {  	(tag) =	ssettag $0x1  }
0x1: {  	s5 =	rddreg [dreg:$0x0];
	s1 =	srdreg.scid  }
0x2: {  	s0 =	stileid.u32;
	s2 =	rddreg [dreg:$0x1]  }
0x3: {  	s3 =	simm.s32 $0x0;
	s11 =	simm.s32 $0x5;
	s12 =	simm.s32 $0x80  }
0x4: {  	s13 =	simm.s32 $0x2800;
	s14 =	simm.s32 $0x4800;
	s15 =	simm.s32 $0x100  }
0x5: {  	s16 =	simm.s32 $0x6800;
	s17 =	simm.s32 $0x180;
	s18 =	simm.s32 $0x8800  }
0x6: {  	s19 =	simm.s32 $0x1;
	s4 =	sand.u32 $0x1, s1;
	s6 =	sshll.u32 s0, $0x1  }
0x7: {  	s20 =	simm.s32 $0x2;
	s21 =	simm.s32 $0x3;
	s6 =	sor.u32 s4, s6  }
0x8: {  	s22 =	simm.s32 $0x4;
	s23 =	simm.s32 $0x0;
	s7 =	smul.u32 $0x500, s6  }
.Ltmp0:
0x9: {  	s1 =	rddreg [dreg:$0x2];
	s8 =	ssub.s32 $0x2, s4;
	(pc) =	sbr.rel .LBB2_1-.Ltmp0, $4  }
0xa: {  	[smem:$0x7FF] =	sst s3;
	s9 =	sshrl.u32 s8, $0x1;
	s4 =	smul.u32 $0x50, s6  }
0xb: {  	_ =	strace $0x80000047;
	s10 =	ssub.s32 s8, s9;
	s31 =	sadd.s32 s7, s5  }
0xc: {  	s5 =	sadd.s32 $0xF42E00, s5;
	s7 =	sor.u32 $0x1, s4;
	s8 =	sor.u32 $0x2, s4  }
0xd: {  	s9 =	sor.u32 $0x3, s4;
	s10 =	smax.u32 s10, $0x1;
	s6 =	sadd.s32 $0xA00, s31  }
.LBB2_12:
0xe: {  	s23 =	sadd.s32 $0x1, s23  }
0xf: {  	p0 =	sne.s32 s23, s10  }
.Ltmp1:
0x10: {  	_ = 	snop;
	(pc) =	sbr.rel @!p0 .LBB2_13-.Ltmp1, $1  }
0x11: {  	_ =	sdelay $0x3  }
.LBB2_1:
0x12: {  	[tilespmem:s3], [sflag:$0x5] =	stream.linear.gather [hbm4b:s6+s3], $0x2800, $0x38;
	[tilespmem:$0xA800] =	vst v63  }
0x13: {  	_ =	swait.ge [sflag:s11], $0x2800  }
0x14: {  	[sflag:s11] =	ssyncset.done $0x0  }
0x15: {  	[sflag:s11] =	ssyncadd.s32 $0xFFFFD800  }
0x16: {  	[tilespmem:s13], [sflag:$0x1] =	stream.indirect.gather [hbm4b:s5+s12], $0x40, s3, s12, $0xb8;
	[tilespmem:$0xA800] =	vst v63  }
0x17: {  	_ = 	snop  }
0x18: {  	[tilespmem:s14], [sflag:$0x2] =	stream.indirect.gather [hbm4b:s5+s12], $0x40, s12, s12, $0xb8;
	[tilespmem:$0xA800] =	vst v63  }
0x19: {  	_ = 	snop  }
0x1a: {  	[tilespmem:s16], [sflag:$0x3] =	stream.indirect.gather [hbm4b:s5+s12], $0x40, s15, s12, $0xb8;
	[tilespmem:$0xA800] =	vst v63  }
0x1b: {  	s24 =	simm.s32 $0x0  }
0x1c: {  	[tilespmem:s18], [sflag:$0x4] =	stream.indirect.gather [hbm4b:s5+s12], $0x40, s17, s12, $0xb8;
	[tilespmem:$0xA800] =	vst v63  }
.LBB2_2:
0x1d: {  	_ =	swait.ge [sflag:s19], $0x2000  }
0x1e: {  	[sflag:s19] =	ssyncset.done $0x0  }
0x1f: {  	s26 =	simm.s32 $0x0;
	[sflag:s19] =	ssyncadd.s32 $0xFFFFE000  }
0x20: {  	v0 =	vld [tilespmem:s26+$0x2800]  }
0x21: {  	v2 =	vld [tilespmem:s26+$0x2810]  }
0x22: {  	s25 =	simm.s32 $0x100;
	v1 =	vld [tilespmem:s26+$0x2820]  }
.LBB2_3:
0x23: {  	p0 =	sne.s32 s25, $0x7F00;
	v3 =	vld [tilespmem:s26+$0x2830];
	_ =	sdelay $0x1  }
0x24: {  	v0 =	vmul.f32 $8.000000000e+00, v0  }
.Ltmp2:
0x25: {  	v2 =	vmul.f32 $8.000000000e+00, v2;
	(pc) =	sbr.rel @p0 .LBB2_3-.Ltmp2, $4  }
0x26: {  	s28 =	sshra.s32 s25, $0x2;
	[tilespmem:s26+$0x2800] =	vst v0;
	v1 =	vmul.f32 $8.000000000e+00, v1  }
0x27: {  	v0 =	vld [tilespmem:s28+$0x2800];
	[tilespmem:s26+$0x2810] =	vst v2;
	v3 =	vmul.f32 $8.000000000e+00, v3  }
0x28: {  	v2 =	vld [tilespmem:s28+$0x2810];
	[tilespmem:s26+$0x2820] =	vst v1  }
0x29: {  	s25 =	sadd.s32 $0x100, s25;
	v1 =	vld [tilespmem:s28+$0x2820];
	[tilespmem:s26+$0x2830] =	vst v3;
	s26 =	smov.u32 s28  }
0x2a: {  	v3 =	vld [tilespmem:s26+$0x2830];
	_ =	sdelay $0x1  }
0x2b: {  	v0 =	vmul.f32 $8.000000000e+00, v0  }
0x2c: {  	v2 =	vmul.f32 $8.000000000e+00, v2  }
0x2d: {  	s25 =	sshll.u32 s24, $0x2;
	[tilespmem:s26+$0x2800] =	vst v0;
	v0 =	vmul.f32 $8.000000000e+00, v1  }
0x2e: {  	s28 =	sadd.s32 s4, s25;
	[tilespmem:s26+$0x2810] =	vst v2;
	v1 =	vmul.f32 $8.000000000e+00, v3  }
0x2f: {  	s28 =	sshll.u32 s28, $0xA;
	[tilespmem:s26+$0x2820] =	vst v0  }
0x30: {  	p0 =	seq.s32 s24, $0x13;
	s31 =	sadd.s32 s2, s28;
	[tilespmem:s26+$0x2830] =	vst v1  }
0x31: {  	[hbm4b:s31+s3] =	stream.linear.scatter [tilespmem:s13], [sflag:$0x5], $0x2000, $0x38;
	[tilespmem:$0xA800] =	vst v63  }
0x32: {  	s26 =	sshll.u32 @!p0 s24, $0x9;
	_ =	swait.ge [sflag:s11], $0x2000  }
0x33: {  	s29 =	simm.s32 @!p0 $0x80;
	s26 =	sand.u32 @!p0 $0x3FFFFE00, s26;
	[sflag:s11] =	ssyncset.done $0x0  }
0x34: {  	s30 =	simm.s32 @!p0 $0x2800;
	s28 =	sadd.s32 @!p0 $0x200, s26;
	[sflag:s11] =	ssyncadd.s32 $0xFFFFE000  }
0x35: {  	[tilespmem:s30], [sflag:$0x1] =	stream.indirect.gather @!p0 [hbm4b:s5+s29], $0x40, s28, s29, $0xb8;
	[tilespmem:$0xA800] =	vst v63  }
0x36: {  	_ =	swait.ge [sflag:s20], $0x2000  }
0x37: {  	[sflag:s20] =	ssyncset.done $0x0  }
0x38: {  	s28 =	simm.s32 $0x0;
	[sflag:s20] =	ssyncadd.s32 $0xFFFFE000  }
0x39: {  	v0 =	vld [tilespmem:s28+$0x4800]  }
0x3a: {  	v2 =	vld [tilespmem:s28+$0x4810]  }
0x3b: {  	s29 =	simm.s32 $0x100;
	v1 =	vld [tilespmem:s28+$0x4820]  }
.LBB2_5:
0x3c: {  	p1 =	sne.s32 s29, $0x7F00;
	v3 =	vld [tilespmem:s28+$0x4830];
	_ =	sdelay $0x1  }
0x3d: {  	v0 =	vmul.f32 $8.000000000e+00, v0  }
.Ltmp3:
0x3e: {  	v2 =	vmul.f32 $8.000000000e+00, v2;
	(pc) =	sbr.rel @p1 .LBB2_5-.Ltmp3, $4  }
0x3f: {  	s30 =	sshra.s32 s29, $0x2;
	[tilespmem:s28+$0x4800] =	vst v0;
	v1 =	vmul.f32 $8.000000000e+00, v1  }
0x40: {  	v0 =	vld [tilespmem:s30+$0x4800];
	[tilespmem:s28+$0x4810] =	vst v2;
	v3 =	vmul.f32 $8.000000000e+00, v3  }
0x41: {  	v2 =	vld [tilespmem:s30+$0x4810];
	[tilespmem:s28+$0x4820] =	vst v1  }
0x42: {  	s29 =	sadd.s32 $0x100, s29;
	v1 =	vld [tilespmem:s30+$0x4820];
	[tilespmem:s28+$0x4830] =	vst v3;
	s28 =	smov.u32 s30  }
0x43: {  	v3 =	vld [tilespmem:s28+$0x4830];
	_ =	sdelay $0x1  }
0x44: {  	v0 =	vmul.f32 $8.000000000e+00, v0  }
0x45: {  	v2 =	vmul.f32 $8.000000000e+00, v2  }
0x46: {  	s29 =	sadd.s32 s25, s7;
	[tilespmem:s28+$0x4800] =	vst v0;
	v0 =	vmul.f32 $8.000000000e+00, v1  }
0x47: {  	s29 =	sshll.u32 s29, $0xA;
	[tilespmem:s28+$0x4810] =	vst v2;
	v1 =	vmul.f32 $8.000000000e+00, v3  }
0x48: {  	s29 =	sand.u32 $0x1FFFF400, s29;
	[tilespmem:s28+$0x4820] =	vst v0  }
0x49: {  	[tilespmem:s28+$0x4830] =	vst v1;
	s28 =	sadd.s32 s2, s29  }
0x4a: {  	[hbm4b:s28+s3] =	stream.linear.scatter [tilespmem:s14], [sflag:$0x5], $0x2000, $0x38;
	[tilespmem:$0xA800] =	vst v63  }
0x4b: {  	_ =	swait.ge [sflag:s11], $0x2000  }
0x4c: {  	s30 =	simm.s32 @!p0 $0x4800;
	[sflag:s11] =	ssyncset.done $0x0  }
0x4d: {  	s29 =	simm.s32 @!p0 $0x80;
	s28 =	sadd.s32 @!p0 $0x280, s26;
	[sflag:s11] =	ssyncadd.s32 $0xFFFFE000  }
0x4e: {  	[tilespmem:s30], [sflag:$0x2] =	stream.indirect.gather @!p0 [hbm4b:s5+s29], $0x40, s28, s29, $0xb8;
	[tilespmem:$0xA800] =	vst v63  }
0x4f: {  	_ =	swait.ge [sflag:s21], $0x2000  }
0x50: {  	[sflag:s21] =	ssyncset.done $0x0  }
0x51: {  	s28 =	simm.s32 $0x0;
	[sflag:s21] =	ssyncadd.s32 $0xFFFFE000  }
0x52: {  	v0 =	vld [tilespmem:s28+$0x6800]  }
0x53: {  	v2 =	vld [tilespmem:s28+$0x6810]  }
0x54: {  	s29 =	simm.s32 $0x100;
	v1 =	vld [tilespmem:s28+$0x6820]  }
.LBB2_7:
0x55: {  	p1 =	sne.s32 s29, $0x7F00;
	v3 =	vld [tilespmem:s28+$0x6830];
	_ =	sdelay $0x1  }
0x56: {  	v0 =	vmul.f32 $8.000000000e+00, v0  }
.Ltmp4:
0x57: {  	v2 =	vmul.f32 $8.000000000e+00, v2;
	(pc) =	sbr.rel @p1 .LBB2_7-.Ltmp4, $4  }
0x58: {  	s30 =	sshra.s32 s29, $0x2;
	[tilespmem:s28+$0x6800] =	vst v0;
	v1 =	vmul.f32 $8.000000000e+00, v1  }
0x59: {  	v0 =	vld [tilespmem:s30+$0x6800];
	[tilespmem:s28+$0x6810] =	vst v2;
	v3 =	vmul.f32 $8.000000000e+00, v3  }
0x5a: {  	v2 =	vld [tilespmem:s30+$0x6810];
	[tilespmem:s28+$0x6820] =	vst v1  }
0x5b: {  	s29 =	sadd.s32 $0x100, s29;
	v1 =	vld [tilespmem:s30+$0x6820];
	[tilespmem:s28+$0x6830] =	vst v3;
	s28 =	smov.u32 s30  }
0x5c: {  	v3 =	vld [tilespmem:s28+$0x6830];
	_ =	sdelay $0x1  }
0x5d: {  	v0 =	vmul.f32 $8.000000000e+00, v0  }
0x5e: {  	v2 =	vmul.f32 $8.000000000e+00, v2  }
0x5f: {  	s29 =	sadd.s32 s25, s8;
	[tilespmem:s28+$0x6800] =	vst v0;
	v0 =	vmul.f32 $8.000000000e+00, v1  }
0x60: {  	s29 =	sshll.u32 s29, $0xA;
	[tilespmem:s28+$0x6810] =	vst v2;
	v1 =	vmul.f32 $8.000000000e+00, v3  }
0x61: {  	s29 =	sand.u32 $0x1FFFF800, s29;
	[tilespmem:s28+$0x6820] =	vst v0  }
0x62: {  	[tilespmem:s28+$0x6830] =	vst v1;
	s28 =	sadd.s32 s2, s29  }
0x63: {  	[hbm4b:s28+s3] =	stream.linear.scatter [tilespmem:s16], [sflag:$0x5], $0x2000, $0x38;
	[tilespmem:$0xA800] =	vst v63  }
0x64: {  	_ =	swait.ge [sflag:s11], $0x2000  }
0x65: {  	s26 =	sadd.s32 @!p0 $0x300, s26;
	[sflag:s11] =	ssyncset.done $0x0  }
0x66: {  	s29 =	simm.s32 @!p0 $0x6800;
	s28 =	simm.s32 @!p0 $0x80;
	[sflag:s11] =	ssyncadd.s32 $0xFFFFE000  }
0x67: {  	[tilespmem:s29], [sflag:$0x3] =	stream.indirect.gather @!p0 [hbm4b:s5+s28], $0x40, s26, s28, $0xb8;
	[tilespmem:$0xA800] =	vst v63  }
0x68: {  	_ =	swait.ge [sflag:s22], $0x2000  }
0x69: {  	[sflag:s22] =	ssyncset.done $0x0  }
0x6a: {  	s26 =	simm.s32 $0x0;
	[sflag:s22] =	ssyncadd.s32 $0xFFFFE000  }
0x6b: {  	v0 =	vld [tilespmem:s26+$0x8800]  }
0x6c: {  	v2 =	vld [tilespmem:s26+$0x8810]  }
0x6d: {  	s28 =	simm.s32 $0x100;
	v1 =	vld [tilespmem:s26+$0x8820]  }
.LBB2_9:
0x6e: {  	p1 =	sne.s32 s28, $0x7F00;
	v3 =	vld [tilespmem:s26+$0x8830];
	_ =	sdelay $0x1  }
0x6f: {  	v0 =	vmul.f32 $8.000000000e+00, v0  }
.Ltmp5:
0x70: {  	v2 =	vmul.f32 $8.000000000e+00, v2;
	(pc) =	sbr.rel @p1 .LBB2_9-.Ltmp5, $4  }
0x71: {  	s29 =	sshra.s32 s28, $0x2;
	[tilespmem:s26+$0x8800] =	vst v0;
	v1 =	vmul.f32 $8.000000000e+00, v1  }
0x72: {  	v0 =	vld [tilespmem:s29+$0x8800];
	[tilespmem:s26+$0x8810] =	vst v2;
	v3 =	vmul.f32 $8.000000000e+00, v3  }
0x73: {  	v2 =	vld [tilespmem:s29+$0x8810];
	[tilespmem:s26+$0x8820] =	vst v1  }
0x74: {  	s28 =	sadd.s32 $0x100, s28;
	v1 =	vld [tilespmem:s29+$0x8820];
	[tilespmem:s26+$0x8830] =	vst v3;
	s26 =	smov.u32 s29  }
0x75: {  	v3 =	vld [tilespmem:s26+$0x8830];
	_ =	sdelay $0x1  }
0x76: {  	v0 =	vmul.f32 $8.000000000e+00, v0  }
0x77: {  	v2 =	vmul.f32 $8.000000000e+00, v2  }
0x78: {  	s25 =	sadd.s32 s25, s9;
	[tilespmem:s26+$0x8800] =	vst v0;
	v62 =	vmul.f32 $8.000000000e+00, v1  }
0x79: {  	s25 =	sshll.u32 s25, $0xA;
	[tilespmem:s26+$0x8810] =	vst v2;
	v63 =	vmul.f32 $8.000000000e+00, v3  }
0x7a: {  	s25 =	sand.u32 $0x1FFFFC00, s25;
	[tilespmem:s26+$0x8820] =	vst v62  }
.Ltmp6:
0x7b: {  	s25 =	sadd.s32 s2, s25;
	[tilespmem:s26+$0x8830] =	vst v63;
	(pc) =	sbr.rel @p0 .LBB2_12-.Ltmp6, $4  }
0x7c: {  	[hbm4b:s25+s3] =	stream.linear.scatter [tilespmem:s18], [sflag:$0x5], $0x2000, $0x38;
	[tilespmem:$0xA800] =	vst v63  }
0x7d: {  	_ =	swait.ge [sflag:s11], $0x2000  }
0x7e: {  	[sflag:s11] =	ssyncset.done $0x0  }
0x7f: {  	[sflag:s11] =	ssyncadd.s32 $0xFFFFE000  }
.Ltmp7:
0x80: {  	(pc) =	sbr.rel .LBB2_2-.Ltmp7, $4  }
0x81: {  	s25 =	sshll.u32 s24, $0x9  }
0x82: {  	s25 =	sand.u32 $0x3FFFFE00, s25  }
0x83: {  	s24 =	sadd.s32 $0x1, s24;
	s25 =	sadd.s32 $0x380, s25  }
0x84: {  	[tilespmem:s18], [sflag:$0x4] =	stream.indirect.gather [hbm4b:s5+s12], $0x40, s25, s12, $0xb8;
	[tilespmem:$0xA800] =	vst v63  }
.LBB2_13:
0x85: {  	_ =	sfence.sel $0x180000  }
0x86: {  	[bflag:$0x0] =	sbarrier.arrive $0xFFFF  }
0x87: {  	p0 =	sne.s32 s0, $0x0;
	_ =	strace $0x90000047  }
0x88: {  	s0 =	sadd.s32 @!p0 $0x100000, s1;
	[bflag:$0x2] =	sbarrier.arrive $0xFFFF  }
0x89: {  	[sflag:s0] =	ssyncadd.tile.s32 @!p0 $0x1;
	_ =	shalt  }
.Lfunc_end2:
_tile_overlayer_lowered:
.L_overlay_start_2:
0x8a: {  	(tag) =	ssettag $0x2  }
0x8b: {  	s0 =	rddreg [dreg:$0x0];
	s2 =	stileid.u32  }
0x8c: {  	s1 =	rddreg [dreg:$0x1];
	p0 =	sne.s32 s2, $0x0  }
0x8d: {  	s3 =	rddreg [dreg:$0x2];
	[bflag:$0x3] =	sbarrier.arrive $0xFFFF;
	s2 =	simm.s32 @!p0 $0x1C05  }
0x8e: {  	[timem:s3], [sflag:s2] =	dma.local @!p0 [hbm:s0], s1  }
0x8f: {  	s0 =	simm.s32 @!p0 $0x5  }
0x90: {  	_ =	swait.ge @!p0 [sflag:s0], s1  }
0x91: {  	s1 =	ssub.s32 @!p0 $0x0, s1;
	[sflag:s0] =	ssyncset.done @!p0 $0x0  }
0x92: {  	[sflag:s0] =	ssyncadd.s32 @!p0 s1  }
0x93: {  	[bflag:$0x3] =	sbarrier.arrive $0xFFFF  }
0x94: {  	_ =	shalt  }

// kernel: sparse-core-data-format-call.cloned.1.call-start
scs
called_computation_lowered:
.L_overlay_start_0:
0x0: {  	s2 =	sld [smem:$0x3FD9]  }
0x1: {  	s3 =	sld [smem:$0x3FFE];
	_ =	sdelay $0x1  }
0x2: {  	s1 =	srdreg.scid  }
0x3: {  	s0 =	sand.u32 $0x1, s1  }
0x4: {  	s18 =	sshll.u32 s0, $0xA;
	s2 =	sadd.s32 s3, s2  }
0x5: {  	s2 =	sadd.s32 s2, s18  }
0x6: {  	[smem:$0x3FC6] =	sst s2  }
0x7: {  	_ = 	snop  }
0x8: {  	s2 =	sld [smem:$0x3FD0];
	(tm) =	ssettm $0x1  }
0x9: {  	s19 =	sld [smem:$0x3FFB];
	_ =	sdelay $0x3  }
0xa: {  	_ =	strace s19  }
0xb: {  	s3 =	sld [smem:$0x3FFC];
	_ =	sdelay $0x3  }
0xc: {  	_ =	strace s3  }
0xd: {  	s3 =	sld [smem:$0x3FFD];
	_ =	sdelay $0x3  }
0xe: {  	_ =	strace s3  }
0xf: {  	_ =	strace $0x8FFFFFFF  }
0x10: {  	s20 =	sld [smem:$0x3FDB];
	_ =	sdelay $0x1  }
0x11: {  	s4 =	simm.s32 $_scs_section_size  }
0x12: {  	s5 =	simm.s32 $_size__tile_overlayer_lowered;
	s6 =	simm.s32 $_tile_overlayer_lowered  }
0x13: {  	s23 =	simm.s32 $0x1BFF;
	s22 =	sshll.u32 s6, $0x1;
	s3 =	sadd.s32 s4, s20  }
0x14: {  	s7 =	simm.s32 $0x0;
	s21 =	sshll.u32 s5, $0x1;
	s5 =	sadd.s32 s22, s3  }
0x15: {  	[timem:s7], [sflag:s23] =	dma.local [hbm:s5], s21  }
0x16: {  	_ =	swait.ge [sflag:s23], s21  }
0x17: {  	s4 =	ssub.s32 $0x0, s21;
	[sflag:s23] =	ssyncset.done $0x0  }
0x18: {  	[sflag:s23] =	ssyncadd.s32 s4;
	_ =	sdelay $0x1  }
0x19: {  	s24 =	simm.s32 $0x1B8B  }
0x1a: {  	_ =	swait.ge [sflag:s24], $0x1  }
0x1b: {  	[sflag:s24] =	ssyncset.done $0x0  }
0x1c: {  	s26 =	simm.s32 $0x1B8E;
	s25 =	sld [smem:$0x3FFE];
	[sflag:s24] =	ssyncadd.s32 $0xFFFFFFFF  }
0x1d: {  	s27 =	simm.s32 $execute0_lowered;
	[smem:$0x3FD2] =	sst s26  }
0x1e: {  	s5 =	sshll.u32 s27, $0x1;
	_ =	strace $0x80000049;
	[dreg:$0x1] =	wrdreg $0xFFFFFFFF  }
0x1f: {  	s28 =	simm.s32 $_size_execute0_lowered;
	s3 =	sadd.s32 s3, s5;
	[dreg:$0x0] =	wrdreg $0x0  }
0x20: {  	s5 =	sshll.u32 s28, $0x1;
	[dreg:$0x2] =	wrdreg s3  }
0x21: {  	[dreg:$0x3] =	wrdreg s5  }
0x22: {  	[dreg:$0x4] =	wrdreg $0xC0  }
0x23: {  	_ =	task [dreg:s7], $0x5FFFF  }
0x24: {  	[dreg:$0x1] =	wrdreg $0xFFFFFFFF  }
0x25: {  	[dreg:$0x0] =	wrdreg $0x60  }
0x26: {  	[dreg:$0x2] =	wrdreg s25  }
0x27: {  	[dreg:$0x3] =	wrdreg s2  }
0x28: {  	[dreg:$0x4] =	wrdreg $0x9  }
0x29: {  	_ =	task.clear_ibuf [dreg:s7], $0x5FFFF;
	_ =	strace $0x90000049  }
0x2a: {  	s29 =	simm.s32 $0x9;
	_ =	strace $0x8000004B  }
0x2b: {  	_ =	swait.ge [sflag:s29], $0x1  }
0x2c: {  	[sflag:s29] =	ssyncadd.s32 $0xFFFFFFFF  }
0x2d: {  	_ =	strace $0x9000004B  }
0x2e: {  	_ =	sfence  }
0x2f: {  	s30 =	sld [smem:$0x0];
	_ =	sdelay $0x2  }
0x30: {  	s31 =	sshll.u32 s1, $0xD;
	s1 =	sshrl.u32 s1, $0x2  }
0x31: {  	s3 =	sand.u32 $0x4000, s31;
	s1 =	sadd.s32 s1, s30  }
0x32: {  	s0 =	sor.u32 s3, s0;
	s1 =	sshll.u32 s1, $0x11  }
0x33: {  	s0 =	sor.u32 s1, s0  }
0x34: {  	s0 =	sadd.s32 $0x8F2B, s0  }
0x35: {  	[sflag:s0] =	ssyncadd.remote.s32 $0x1  }
0x36: {  	_ =	sfence.sel $0xFFFF  }
0x37: {  	[dreg:$0x0] =	wrdreg $0xFFFFFFFF;
	(pc) =	sbr.abs _section_cstart, $3  }
0x38: {  	[dreg:$0x1] =	wrdreg $0xFFFFFFFF  }
0x39: {  	_ =	task.clear_ibuf [dreg:s7], $0x2FFFF;
	_ =	strace $0x9FFFFFFF  }
0x3a: {  	(tm) =	ssettm $0x7FFFFFFF  }
0x3b: {  	_ =	shalt  }
tec
execute0_lowered:
.L_overlay_start_1:
0x0: {  	(tag) =	ssettag $0x1  }
0x1: {  	s0 =	srdreg.scid  }
0x2: {  	s1 =	sshll.u32 s0, $0x4  }
0x3: {  	s0 =	stileid.u32;
	s1 =	sand.u32 $0x10, s1  }
0x4: {  	s1 =	sor.u32 s0, s1  }
0x5: {  	s6 =	rddreg [dreg:$0x0];
	s4 =	simm.s32 $0x1;
	s2 =	sshll.u32 s1, $0x7  }
0x6: {  	s7 =	simm.s32 $0x2;
	s12 =	simm.s32 $0x0;
	s1 =	ssub.s32 $0x4000, s2  }
0x7: {  	s8 =	simm.s32 $0x20000;
	s13 =	simm.s32 $0x0;
	s3 =	sand.u32 $0xF80, s1  }
0x8: {  	s9 =	simm.s32 $0x0;
	s5 =	sshrl.u32 s1, $0xC;
	p0 =	sne.s32 s3, $0x0  }
.Ltmp0:
0x9: {  	s1 =	rddreg [dreg:$0x2];
	s4 =	simm.s32 @!p0 $0x0;
	(pc) =	sbr.rel .LBB1_1-.Ltmp0, $4  }
0xa: {  	s11 =	simm.s32 $0x0;
	s3 =	rddreg [dreg:$0x1];
	s5 =	sadd.s32 s4, s5  }
0xb: {  	_ =	strace $0x8000004A;
	s4 =	simm.s32 $0x1;
	s5 =	smul.u32 $0x14, s5  }
0xc: {  	s6 =	sadd.s32 $0xA00, s6;
	s10 =	smov.u32 s2;
	[sflag:s4] =	ssyncpa.u1 $0x0  }
0xd: {  	p0 =	por $0x0, $0x0;
	[sflag:s7] =	ssyncpa.u1 $0x0;
	s7 =	sor.u32 $0x1, s5  }
.LBB1_4:
0xe: {  	s16 =	sshll.u32 s13, $0x3;
	s17 =	sand.u32 $0x78, s13  }
0xf: {  	s30 =	sand.u32 $0x1F800, s13;
	s12 =	sshll.u32 s12, $0x11;
	s16 =	sand.u32 $0x3C00, s16  }
0x10: {  	[tilespmem:s15+$0x810 ss:$0x81] =	vst.msk $0xffff, v2;
	s31 =	sand.u32 $0x7, s13;
	s16 =	sor.u32 s17, s16;
	s17 =	sadd.s32 s3, s30  }
0x11: {  	[tilespmem:s15+$0x1020 ss:$0x81] =	vst.msk $0xffff, v0;
	s13 =	sshll.u32 s31, $0x12;
	s12 =	sadd.s32 s12, s17;
	s16 =	sshrl.u32 s16, $0x3  }
0x12: {  	[tilespmem:s15+$0x0 ss:$0x81] =	vst.msk $0xffff, v1;
	s13 =	sor.u32 $0x400, s13;
	s12 =	sadd.s32 s16, s12  }
0x13: {  	[hbm4b:s12+s13] =	stream.strided.scatter [tilespmem:s14], [sflag:$0x2], $0x2000, s8, s13, $0x20;
	[tilespmem:$0x8080] =	vst v63  }
.LBB1_5:
0x14: {  	s14 =	sadd.s32 $0x1, s9  }
0x15: {  	s12 =	sadd.s32 $0x1000, s10;
	s16 =	smov.u32 s10;
	p2 =	sgt.s32 s14, $0x13  }
0x16: {  	s16 =	smov.u32 @p2 s12  }
0x17: {  	s14 =	simm.s32 @p2 $0x0;
	p2 =	sgt.s32 s16, $0x3FFF  }
0x18: {  	s16 =	smov.u32 @p2 s2;
	p2 =	sne.s32 s11, s7  }
.Ltmp1:
0x19: {  	p1 =	slt.u32 s11, $0x2;
	(pc) =	sbr.rel @!p2 .LBB1_6-.Ltmp1, $4  }
0x1a: {  	s15 =	simm.s32 @!p1 $0x2  }
0x1b: {  	s13 =	smov.u32 s10;
	p0 =	por !p0, !p0;
	_ =	swait.ge @!p1 [sflag:s15], $0x2000  }
0x1c: {  	s12 =	smov.u32 s9;
	[sflag:s15] =	ssyncset.done @!p1 $0x0;
	s9 =	smov.u32 s14  }
0x1d: {  	s11 =	sadd.s32 $0x1, s11;
	[sflag:s15] =	ssyncadd.s32 @!p1 $0xFFFFE000;
	s10 =	smov.u32 s16  }
.LBB1_1:
0x1e: {  	p1 =	sge.u32 s11, s5  }
0x1f: {  	s14 =	sand.u32 @!p1 $0x1FFFFFF, s9  }
0x20: {  	s15 =	smulhi.u32 @!p1 $0xAAAAAAB, s14;
	_ =	sdelay $0x1  }
0x21: {  	s15 =	smul.u32 @!p1 $0x18, s15  }
0x22: {  	s16 =	sxor.u32 @!p1 $0xFFFFFFFF, s11;
	s17 =	smul.u32 @!p1 $0x180, s10  }
0x23: {  	s31 =	sadd.s32 $0xFFFFFFFF, s11;
	s16 =	sshll.u32 @!p1 s16, $0xD;
	s14 =	ssub.s32 @!p1 s14, s15  }
0x24: {  	s15 =	sand.u32 @!p1 $0x2000, s16;
	s16 =	sadd.s32 @!p1 s6, s17;
	s14 =	sshll.u32 @!p1 s14, $0x4  }
0x25: {  	s17 =	simm.s32 @!p1 $0xC00;
	s14 =	sadd.s32 @!p1 s14, s16;
	s16 =	simm.s32 @!p1 $0x40  }
0x26: {  	[tilespmem:s15], [sflag:$0x1] =	stream.strided.gather @!p1 [hbm4b:s14+s16], $0x2000, s17, s16, $0x38;
	[tilespmem:$0x8080] =	vst v63  }
0x27: {  	p1 =	sge.u32 s31, s5  }
.Ltmp2:
0x28: {  	_ = 	snop;
	(pc) =	sbr.rel @p1 .LBB1_5-.Ltmp2, $1  }
0x29: {  	_ =	sdelay $0x3  }
0x2a: {  	s14 =	simm.s32 $0x1  }
0x2b: {  	_ =	swait.ge [sflag:s4], $0x2000;
	s14 =	simm.s32 @!p0 $0x0  }
0x2c: {  	[sflag:s4] =	ssyncset.done $0x0;
	s15 =	sshll.u32 s14, $0xD  }
0x2d: {  	[sflag:s4] =	ssyncadd.s32 $0xFFFFE000;
	s18 =	sor.u32 $0x20, s15  }
0x2e: {  	s14 =	smul.u32 $0x8100, s14;
	v3 =	vld [tilespmem:s18+$0x10]  }
0x2f: {  	s30 =	sand.u32 $0x1, s11;
	v2 =	vld [tilespmem:s18+$0xFFFFFFF0]  }
0x30: {  	s15 =	smul.u32 $0x8100, s30;
	s14 =	sshrl.u32 s14, $0x2;
	v0 =	vld [tilespmem:s18+$0x0]  }
0x31: {  	v1 =	vld [tilespmem:s18+$0xFFFFFFE0];
	s16 =	sor.u32 $0x4000, s14  }
0x32: {  	s31 =	sshrl.u32 s15, $0x2;
	s15 =	sadd.s32 $0x0, s16  }
0x33: {  	s17 =	simm.s32 $0x4;
	s18 =	sadd.s32 $0x40, s18;
	s14 =	sor.u32 $0x4000, s31;
	[tilespmem:s15+$0x1830 ss:$0x81] =	vst.msk $0xffff, v3  }
.LBB1_3:
0x34: {  	v3 =	vld [tilespmem:s18+$0x10];
	p1 =	sne.s32 s17, $0x1FC;
	[tilespmem:s15+$0x810 ss:$0x81] =	vst.msk $0xffff, v2;
	s19 =	smov.u32 s17;
	s17 =	sadd.s32 $0x4, s17  }
.Ltmp3:
0x35: {  	v2 =	vld [tilespmem:s18+$0xFFFFFFF0];
	[tilespmem:s15+$0x1020 ss:$0x81] =	vst.msk $0xffff, v0;
	(pc) =	sbr.rel @p1 .LBB1_3-.Ltmp3, $4  }
0x36: {  	v0 =	vld [tilespmem:s18+$0x0];
	[tilespmem:s15+$0x0 ss:$0x81] =	vst.msk $0xffff, v1  }
0x37: {  	s15 =	sshra.s32 s19, $0x2;
	v1 =	vld [tilespmem:s18+$0xFFFFFFE0]  }
0x38: {  	s15 =	sadd.s32 s15, s16  }
0x39: {  	s18 =	sadd.s32 $0x40, s18;
	[tilespmem:s15+$0x1830 ss:$0x81] =	vst.msk $0xffff, v3  }
.Ltmp4:
0x3a: {  	_ = 	snop;
	(pc) =	sbr.rel .LBB1_4-.Ltmp4, $1  }
0x3b: {  	_ =	sdelay $0x3  }
.LBB1_6:
0x3c: {  	_ =	sfence.sel $0x180000  }
0x3d: {  	s2 =	simm.s32 $0x1;
	[bflag:$0x0] =	sbarrier.arrive $0xFFFF  }
0x3e: {  	s31 =	simm.s32 $0x2;
	[sflag:s2] =	ssyncpa.u1 $0x1  }
0x3f: {  	[sflag:s31] =	ssyncpa.u1 $0x1  }
0x40: {  	p0 =	sne.s32 s0, $0x0;
	_ =	strace $0x9000004A  }
0x41: {  	s0 =	sadd.s32 @!p0 $0x100000, s1;
	[bflag:$0x2] =	sbarrier.arrive $0xFFFF  }
0x42: {  	[sflag:s0] =	ssyncadd.tile.s32 @!p0 $0x1;
	_ =	shalt  }
.Lfunc_end1:
_tile_overlayer_lowered:
.L_overlay_start_2:
0x43: {  	(tag) =	ssettag $0x2  }
0x44: {  	s0 =	rddreg [dreg:$0x0];
	s2 =	stileid.u32  }
0x45: {  	s1 =	rddreg [dreg:$0x1];
	p0 =	sne.s32 s2, $0x0  }
0x46: {  	s3 =	rddreg [dreg:$0x2];
	[bflag:$0x3] =	sbarrier.arrive $0xFFFF;
	s2 =	simm.s32 @!p0 $0x1C01  }
0x47: {  	[timem:s3], [sflag:s2] =	dma.local @!p0 [hbm:s0], s1  }
0x48: {  	s0 =	simm.s32 @!p0 $0x1  }
0x49: {  	_ =	swait.ge @!p0 [sflag:s0], s1  }
0x4a: {  	s1 =	ssub.s32 @!p0 $0x0, s1;
	[sflag:s0] =	ssyncset.done @!p0 $0x0  }
0x4b: {  	[sflag:s0] =	ssyncadd.s32 @!p0 s1  }
0x4c: {  	[bflag:$0x3] =	sbarrier.arrive $0xFFFF  }
0x4d: {  	_ =	shalt  }

</sc_bundles>
